<compile_context>
chip_gen: v7x
topology: tpu7x:2x2x1
jax: 0.10.2.dev20260603
libtpu: 0.0.44.dev20260713+nightly
codegen_flags: <defaults>
</compile_context>

<pallas_src>
import functools

import jax
import jax.numpy as jnp
from jax import lax
from jax.experimental import pallas as pl
from jax.experimental.pallas import tpu as pltpu
from jax.experimental.pallas import tpu_sc as plsc

N_CHARS = 65536
N = 8388608

_NC = 2
_NS = 16
_NW = _NC * _NS
_L = 16

_PER_W = N // _NW
_CHUNK = 2048
_NUM_CHUNKS = _PER_W // _CHUNK


def _log_table_body(counts_ref, out_ref):
    c = counts_ref[...]
    s = jnp.sum(c)
    out_ref[...] = jnp.log(c) - jnp.log(s)


def _compute_log_table(counts):
    c2 = counts.reshape(N_CHARS // 128, 128)
    out = pl.pallas_call(
        _log_table_body,
        out_shape=jax.ShapeDtypeStruct((N_CHARS // 128, 128), jnp.float32),
    )(c2)
    return out.reshape(N_CHARS)


_NBUF = 8
_BATCH = 8


@functools.partial(
    pl.kernel,
    mesh=plsc.VectorSubcoreMesh(core_axis_name="c", subcore_axis_name="s"),
    out_type=jax.ShapeDtypeStruct((N,), jnp.float32),
    compiler_params=pltpu.CompilerParams(needs_layout_passes=False),
    scratch_types=[
        pltpu.VMEM((N_CHARS,), jnp.float32),
        pltpu.VMEM_SHARED((N_CHARS,), jnp.float32),
    ] + [pltpu.VMEM((_CHUNK,), jnp.int32)] * _NBUF
      + [pltpu.VMEM((_CHUNK,), jnp.float32)] * _NBUF
      + [pltpu.SemaphoreType.DMA] * (2 * _NBUF),
)
def _sc_gather(table_hbm, idx_hbm, out_hbm, table_v, table_s, *bufs):
    idx_b = bufs[:_NBUF]
    out_b = bufs[_NBUF:2 * _NBUF]
    sin_b = bufs[2 * _NBUF:3 * _NBUF]
    sout_b = bufs[3 * _NBUF:4 * _NBUF]

    wid = lax.axis_index("s") * _NC + lax.axis_index("c")
    base = wid * _PER_W

    def in_slice(cur):
        off = pl.multiple_of(base + cur * _CHUNK, _CHUNK)
        return idx_hbm.at[pl.ds(off, _CHUNK)]

    def out_slice(cur):
        off = pl.multiple_of(base + cur * _CHUNK, _CHUNK)
        return out_hbm.at[pl.ds(off, _CHUNK)]

    for b in range(_NBUF):
        pltpu.async_copy(in_slice(b), idx_b[b], sin_b[b])

    _SLICE = N_CHARS // _NS
    soff = pl.multiple_of(lax.axis_index("s") * _SLICE, _SLICE)
    pltpu.sync_copy(table_hbm.at[pl.ds(soff, _SLICE)],
                    table_s.at[pl.ds(soff, _SLICE)])
    plsc.subcore_barrier()
    pltpu.sync_copy(table_s, table_v)

    @pl.loop(0, _NUM_CHUNKS, step=_NBUF)
    def outer(ci):
        for b in range(_NBUF):
            cur = ci + b
            pltpu.make_async_copy(in_slice(cur), idx_b[b], sin_b[b]).wait()
            @pl.when(cur >= _NBUF)
            def _():
                pltpu.make_async_copy(
                    out_b[b], out_slice(cur - _NBUF), sout_b[b]).wait()

            def inner(j, _):
                o = pl.multiple_of(j * (_L * _BATCH), _L * _BATCH)
                ivs = [idx_b[b][pl.ds(o + k * _L, _L)] for k in range(_BATCH)]
                vals = [plsc.load_gather(table_v, [iv]) for iv in ivs]
                for k in range(_BATCH):
                    out_b[b][pl.ds(o + k * _L, _L)] = vals[k]
                return 0

            lax.fori_loop(0, _CHUNK // (_L * _BATCH), inner, 0)
            pltpu.async_copy(out_b[b], out_slice(cur), sout_b[b])

            @pl.when(cur + _NBUF < _NUM_CHUNKS)
            def _():
                pltpu.async_copy(in_slice(cur + _NBUF), idx_b[b], sin_b[b])

    for b in range(_NBUF):
        pltpu.make_async_copy(
            out_b[b], out_slice(_NUM_CHUNKS - _NBUF + b), sout_b[b]).wait()


def kernel(chars, counts):
    log_table = _compute_log_table(counts)
    return _sc_gather(log_table, chars)

# --- scband reference (transcript-rebuilt; emitter-appended) ---
"""Pipeline reference for scband-char-prior-88828513616490 (READ-ONLY COPY).

The authoritative reference and input builder live on the scoring server;
editing this copy changes nothing except your own understanding.
"""

import jax, jax.numpy as jnp
import numpy as np

N_CHARS = 65536
N = 8388608

def setup_inputs(seed: int = 0) -> dict:
    key = jax.random.key(seed)
    k1, k2 = jax.random.split(key)
    chars = jax.random.randint(k1, (N,), 0, N_CHARS, dtype=jnp.int64) if jax.config.jax_enable_x64 else jax.random.randint(k1, (N,), 0, N_CHARS, dtype=jnp.int32)
    # counts buffer: strictly positive so probs > 0 and log is finite
    counts = jax.random.uniform(k2, (N_CHARS,), dtype=jnp.float32, minval=0.5, maxval=10.0)
    return {"chars": chars, "counts": counts}

def reference(chars, counts):
    # probs = self.counts[chars] / self.counts.sum(); return probs.log()
    gathered = jnp.take(counts, chars, axis=0)
    probs = gathered / jnp.sum(counts)
    return jnp.log(probs)

if __name__ == "__main__":
    import jax
    _d = setup_inputs()
    print(jax.jit(kernel)(*tuple(_d.values())))

</pallas_src>

<mosaic_0001>
#map = affine_map<(d0, d1) -> (0)>
module attributes {stable_mosaic.version = 14 : i64} {
  func.func @_sc_gather(%arg0: i32, %arg1: i32, %arg2: memref<65536xf32, #tpu.memory_space<hbm>>, %arg3: memref<8388608xi32, #tpu.memory_space<hbm>>, %arg4: memref<8388608xf32, #tpu.memory_space<hbm>>, %arg5: memref<65536xf32, #tpu.memory_space<vmem>>, %arg6: memref<65536xf32, #tpu.memory_space<vmem_shared>>, %arg7: memref<2048xi32, #tpu.memory_space<vmem>>, %arg8: memref<2048xi32, #tpu.memory_space<vmem>>, %arg9: memref<2048xi32, #tpu.memory_space<vmem>>, %arg10: memref<2048xi32, #tpu.memory_space<vmem>>, %arg11: memref<2048xi32, #tpu.memory_space<vmem>>, %arg12: memref<2048xi32, #tpu.memory_space<vmem>>, %arg13: memref<2048xi32, #tpu.memory_space<vmem>>, %arg14: memref<2048xi32, #tpu.memory_space<vmem>>, %arg15: memref<2048xf32, #tpu.memory_space<vmem>>, %arg16: memref<2048xf32, #tpu.memory_space<vmem>>, %arg17: memref<2048xf32, #tpu.memory_space<vmem>>, %arg18: memref<2048xf32, #tpu.memory_space<vmem>>, %arg19: memref<2048xf32, #tpu.memory_space<vmem>>, %arg20: memref<2048xf32, #tpu.memory_space<vmem>>, %arg21: memref<2048xf32, #tpu.memory_space<vmem>>, %arg22: memref<2048xf32, #tpu.memory_space<vmem>>, %arg23: memref<!tpu.dma_semaphore, #tpu.memory_space<semaphore_mem>>, %arg24: memref<!tpu.dma_semaphore, #tpu.memory_space<semaphore_mem>>, %arg25: memref<!tpu.dma_semaphore, #tpu.memory_space<semaphore_mem>>, %arg26: memref<!tpu.dma_semaphore, #tpu.memory_space<semaphore_mem>>, %arg27: memref<!tpu.dma_semaphore, #tpu.memory_space<semaphore_mem>>, %arg28: memref<!tpu.dma_semaphore, #tpu.memory_space<semaphore_mem>>, %arg29: memref<!tpu.dma_semaphore, #tpu.memory_space<semaphore_mem>>, %arg30: memref<!tpu.dma_semaphore, #tpu.memory_space<semaphore_mem>>, %arg31: memref<!tpu.dma_semaphore, #tpu.memory_space<semaphore_mem>>, %arg32: memref<!tpu.dma_semaphore, #tpu.memory_space<semaphore_mem>>, %arg33: memref<!tpu.dma_semaphore, #tpu.memory_space<semaphore_mem>>, %arg34: memref<!tpu.dma_semaphore, #tpu.memory_space<semaphore_mem>>, %arg35: memref<!tpu.dma_semaphore, #tpu.memory_space<semaphore_mem>>, %arg36: memref<!tpu.dma_semaphore, #tpu.memory_space<semaphore_mem>>, %arg37: memref<!tpu.dma_semaphore, #tpu.memory_space<semaphore_mem>>, %arg38: memref<!tpu.dma_semaphore, #tpu.memory_space<semaphore_mem>>) attributes {dimension_semantics = [#tpu.dimension_semantics<core_parallel>, #tpu.dimension_semantics<subcore_parallel>], iteration_bounds = array<i64: 2, 16>, scalar_prefetch = 0 : i64, scratch_operands = 34 : i64, tpu.core_type = #tpu.core_type<sc_vector_subcore>, window_params = [{transform_indices = #map}, {transform_indices = #map}, {transform_indices = #map}]} {
    %mul3A = arith.constant 2 : i32
    %mul3A_0 = arith.muli %arg1, %mul3A : i32
    %add3A = arith.addi %mul3A_0, %arg0 : i32
    %mul3A_1 = arith.constant 262144 : i32
    %mul3A_2 = arith.muli %add3A, %mul3A_1 : i32
    %add3A_3 = arith.constant 0 : i32
    %add3A_4 = arith.addi %mul3A_2, %add3A_3 : i32
    %multiple_of3A = tpu.assume_multiple %add3A_4, 2048 : i32
    %dma_start3A = tpu.memref_slice %arg3[%multiple_of3A] : memref<8388608xi32, #tpu.memory_space<hbm>> -> memref<2048xi32, #tpu.memory_space<hbm>>
    %dma_start3A_5 = tpu.memref_slice %arg3[%multiple_of3A] : memref<8388608xi32, #tpu.memory_space<hbm>> -> memref<2048xi32, #tpu.memory_space<hbm>>
    tpu.enqueue_dma source(%dma_start3A_5 : memref<2048xi32, #tpu.memory_space<hbm>>) target(%arg7 : memref<2048xi32, #tpu.memory_space<vmem>>) target_semaphore(%arg23 : memref<!tpu.dma_semaphore, #tpu.memory_space<semaphore_mem>>)
    %add3A_6 = arith.constant 2048 : i32
    %add3A_7 = arith.addi %mul3A_2, %add3A_6 : i32
    %multiple_of3A_8 = tpu.assume_multiple %add3A_7, 2048 : i32
    %dma_start3A_9 = tpu.memref_slice %arg3[%multiple_of3A_8] : memref<8388608xi32, #tpu.memory_space<hbm>> -> memref<2048xi32, #tpu.memory_space<hbm>>
    %dma_start3A_10 = tpu.memref_slice %arg3[%multiple_of3A_8] : memref<8388608xi32, #tpu.memory_space<hbm>> -> memref<2048xi32, #tpu.memory_space<hbm>>
    tpu.enqueue_dma source(%dma_start3A_10 : memref<2048xi32, #tpu.memory_space<hbm>>) target(%arg8 : memref<2048xi32, #tpu.memory_space<vmem>>) target_semaphore(%arg24 : memref<!tpu.dma_semaphore, #tpu.memory_space<semaphore_mem>>)
    %add3A_11 = arith.constant 4096 : i32
    %add3A_12 = arith.addi %mul3A_2, %add3A_11 : i32
    %multiple_of3A_13 = tpu.assume_multiple %add3A_12, 2048 : i32
    %dma_start3A_14 = tpu.memref_slice %arg3[%multiple_of3A_13] : memref<8388608xi32, #tpu.memory_space<hbm>> -> memref<2048xi32, #tpu.memory_space<hbm>>
    %dma_start3A_15 = tpu.memref_slice %arg3[%multiple_of3A_13] : memref<8388608xi32, #tpu.memory_space<hbm>> -> memref<2048xi32, #tpu.memory_space<hbm>>
    tpu.enqueue_dma source(%dma_start3A_15 : memref<2048xi32, #tpu.memory_space<hbm>>) target(%arg9 : memref<2048xi32, #tpu.memory_space<vmem>>) target_semaphore(%arg25 : memref<!tpu.dma_semaphore, #tpu.memory_space<semaphore_mem>>)
    %add3A_16 = arith.constant 6144 : i32
    %add3A_17 = arith.addi %mul3A_2, %add3A_16 : i32
    %multiple_of3A_18 = tpu.assume_multiple %add3A_17, 2048 : i32
    %dma_start3A_19 = tpu.memref_slice %arg3[%multiple_of3A_18] : memref<8388608xi32, #tpu.memory_space<hbm>> -> memref<2048xi32, #tpu.memory_space<hbm>>
    %dma_start3A_20 = tpu.memref_slice %arg3[%multiple_of3A_18] : memref<8388608xi32, #tpu.memory_space<hbm>> -> memref<2048xi32, #tpu.memory_space<hbm>>
    tpu.enqueue_dma source(%dma_start3A_20 : memref<2048xi32, #tpu.memory_space<hbm>>) target(%arg10 : memref<2048xi32, #tpu.memory_space<vmem>>) target_semaphore(%arg26 : memref<!tpu.dma_semaphore, #tpu.memory_space<semaphore_mem>>)
    %add3A_21 = arith.constant 8192 : i32
    %add3A_22 = arith.addi %mul3A_2, %add3A_21 : i32
    %multiple_of3A_23 = tpu.assume_multiple %add3A_22, 2048 : i32
    %dma_start3A_24 = tpu.memref_slice %arg3[%multiple_of3A_23] : memref<8388608xi32, #tpu.memory_space<hbm>> -> memref<2048xi32, #tpu.memory_space<hbm>>
    %dma_start3A_25 = tpu.memref_slice %arg3[%multiple_of3A_23] : memref<8388608xi32, #tpu.memory_space<hbm>> -> memref<2048xi32, #tpu.memory_space<hbm>>
    tpu.enqueue_dma source(%dma_start3A_25 : memref<2048xi32, #tpu.memory_space<hbm>>) target(%arg11 : memref<2048xi32, #tpu.memory_space<vmem>>) target_semaphore(%arg27 : memref<!tpu.dma_semaphore, #tpu.memory_space<semaphore_mem>>)
    %add3A_26 = arith.constant 10240 : i32
    %add3A_27 = arith.addi %mul3A_2, %add3A_26 : i32
    %multiple_of3A_28 = tpu.assume_multiple %add3A_27, 2048 : i32
    %dma_start3A_29 = tpu.memref_slice %arg3[%multiple_of3A_28] : memref<8388608xi32, #tpu.memory_space<hbm>> -> memref<2048xi32, #tpu.memory_space<hbm>>
    %dma_start3A_30 = tpu.memref_slice %arg3[%multiple_of3A_28] : memref<8388608xi32, #tpu.memory_space<hbm>> -> memref<2048xi32, #tpu.memory_space<hbm>>
    tpu.enqueue_dma source(%dma_start3A_30 : memref<2048xi32, #tpu.memory_space<hbm>>) target(%arg12 : memref<2048xi32, #tpu.memory_space<vmem>>) target_semaphore(%arg28 : memref<!tpu.dma_semaphore, #tpu.memory_space<semaphore_mem>>)
    %add3A_31 = arith.constant 12288 : i32
    %add3A_32 = arith.addi %mul3A_2, %add3A_31 : i32
    %multiple_of3A_33 = tpu.assume_multiple %add3A_32, 2048 : i32
    %dma_start3A_34 = tpu.memref_slice %arg3[%multiple_of3A_33] : memref<8388608xi32, #tpu.memory_space<hbm>> -> memref<2048xi32, #tpu.memory_space<hbm>>
    %dma_start3A_35 = tpu.memref_slice %arg3[%multiple_of3A_33] : memref<8388608xi32, #tpu.memory_space<hbm>> -> memref<2048xi32, #tpu.memory_space<hbm>>
    tpu.enqueue_dma source(%dma_start3A_35 : memref<2048xi32, #tpu.memory_space<hbm>>) target(%arg13 : memref<2048xi32, #tpu.memory_space<vmem>>) target_semaphore(%arg29 : memref<!tpu.dma_semaphore, #tpu.memory_space<semaphore_mem>>)
    %add3A_36 = arith.constant 14336 : i32
    %add3A_37 = arith.addi %mul3A_2, %add3A_36 : i32
    %multiple_of3A_38 = tpu.assume_multiple %add3A_37, 2048 : i32
    %dma_start3A_39 = tpu.memref_slice %arg3[%multiple_of3A_38] : memref<8388608xi32, #tpu.memory_space<hbm>> -> memref<2048xi32, #tpu.memory_space<hbm>>
    %dma_start3A_40 = tpu.memref_slice %arg3[%multiple_of3A_38] : memref<8388608xi32, #tpu.memory_space<hbm>> -> memref<2048xi32, #tpu.memory_space<hbm>>
    tpu.enqueue_dma source(%dma_start3A_40 : memref<2048xi32, #tpu.memory_space<hbm>>) target(%arg14 : memref<2048xi32, #tpu.memory_space<vmem>>) target_semaphore(%arg30 : memref<!tpu.dma_semaphore, #tpu.memory_space<semaphore_mem>>)
    %mul3A_41 = arith.constant 4096 : i32
    %mul3A_42 = arith.muli %arg1, %mul3A_41 : i32
    %multiple_of3A_43 = tpu.assume_multiple %mul3A_42, 4096 : i32
    "tpu.region"() ({
      %run_scoped3A = tpu.sem_alloc : memref<!tpu.dma_semaphore, #tpu.memory_space<semaphore_mem>>
      %dma_start3A_87 = tpu.memref_slice %arg6[%multiple_of3A_43] : memref<65536xf32, #tpu.memory_space<vmem_shared>> -> memref<4096xf32, #tpu.memory_space<vmem_shared>>
      %dma_start3A_88 = tpu.memref_slice %arg2[%multiple_of3A_43] : memref<65536xf32, #tpu.memory_space<hbm>> -> memref<4096xf32, #tpu.memory_space<hbm>>
      tpu.enqueue_dma source(%dma_start3A_88 : memref<4096xf32, #tpu.memory_space<hbm>>) target(%dma_start3A_87 : memref<4096xf32, #tpu.memory_space<vmem_shared>>) target_semaphore(%run_scoped3A : memref<!tpu.dma_semaphore, #tpu.memory_space<semaphore_mem>>)
      %dma_wait3A_89 = tpu.memref_slice %arg6[%multiple_of3A_43] : memref<65536xf32, #tpu.memory_space<vmem_shared>> -> memref<4096xf32, #tpu.memory_space<vmem_shared>>
      %dma_wait3A_90 = tpu.memref_slice %arg2[%multiple_of3A_43] : memref<65536xf32, #tpu.memory_space<hbm>> -> memref<4096xf32, #tpu.memory_space<hbm>>
      tpu.wait_dma2 semaphore(%run_scoped3A : memref<!tpu.dma_semaphore, #tpu.memory_space<semaphore_mem>>) src(%dma_wait3A_90 : memref<4096xf32, #tpu.memory_space<hbm>>) dst(%dma_wait3A_89 : memref<4096xf32, #tpu.memory_space<vmem_shared>>)
      tpu.yield
    }) : () -> ()
    %barrier3A = arith.constant 0 : index
    tpu.barrier barrier_id(%barrier3A)
    "tpu.region"() ({
      %run_scoped3A = tpu.sem_alloc : memref<!tpu.dma_semaphore, #tpu.memory_space<semaphore_mem>>
      tpu.enqueue_dma source(%arg6 : memref<65536xf32, #tpu.memory_space<vmem_shared>>) target(%arg5 : memref<65536xf32, #tpu.memory_space<vmem>>) target_semaphore(%run_scoped3A : memref<!tpu.dma_semaphore, #tpu.memory_space<semaphore_mem>>)
      tpu.wait_dma2 semaphore(%run_scoped3A : memref<!tpu.dma_semaphore, #tpu.memory_space<semaphore_mem>>) src(%arg6 : memref<65536xf32, #tpu.memory_space<vmem_shared>>) dst(%arg5 : memref<65536xf32, #tpu.memory_space<vmem>>)
      tpu.yield
    }) : () -> ()
    %scan3A = arith.constant 0 : i32
    %scan3A_44 = arith.constant 16 : i32
    %scan3A_45 = arith.addi %scan3A, %scan3A_44 : i32
    %scan3A_46 = arith.constant 1 : i32
    scf.for %scan3A_87 = %scan3A to %scan3A_45 step %scan3A_46  : i32 {
      %mul3A_88 = arith.constant 8 : i32
      %mul3A_89 = arith.muli %scan3A_87, %mul3A_88 : i32
      %add3A_90 = arith.constant 0 : i32
      %add3A_91 = arith.addi %add3A_90, %mul3A_89 : i32
      %add3A_92 = arith.constant 0 : i32
      %add3A_93 = arith.addi %add3A_91, %add3A_92 : i32
      %mul3A_94 = arith.constant 2048 : i32
      %mul3A_95 = arith.muli %add3A_93, %mul3A_94 : i32
      %add3A_96 = arith.addi %mul3A_2, %mul3A_95 : i32
      %multiple_of3A_97 = tpu.assume_multiple %add3A_96, 2048 : i32
      %dma_wait3A_98 = tpu.memref_slice %arg3[%multiple_of3A_97] : memref<8388608xi32, #tpu.memory_space<hbm>> -> memref<2048xi32, #tpu.memory_space<hbm>>
      %dma_wait3A_99 = tpu.memref_slice %arg3[%multiple_of3A_97] : memref<8388608xi32, #tpu.memory_space<hbm>> -> memref<2048xi32, #tpu.memory_space<hbm>>
      tpu.wait_dma2 semaphore(%arg23 : memref<!tpu.dma_semaphore, #tpu.memory_space<semaphore_mem>>) src(%dma_wait3A_99 : memref<2048xi32, #tpu.memory_space<hbm>>) dst(%arg7 : memref<2048xi32, #tpu.memory_space<vmem>>)
      %ge3A = arith.constant 8 : i32
      %ge3A_100 = arith.cmpi sge, %add3A_93, %ge3A : i32
      %convert_element_type3A = arith.extui %ge3A_100 : i1 to i32
      %cond3A = arith.constant 0 : i32
      %cond3A_101 = arith.cmpi ne, %convert_element_type3A, %cond3A : i32
      scf.if %cond3A_101 {
        %sub3A = arith.constant 8 : i32
        %sub3A_352 = arith.subi %add3A_93, %sub3A : i32
        %mul3A_353 = arith.constant 2048 : i32
        %mul3A_354 = arith.muli %sub3A_352, %mul3A_353 : i32
        %add3A_355 = arith.addi %mul3A_2, %mul3A_354 : i32
        %multiple_of3A_356 = tpu.assume_multiple %add3A_355, 2048 : i32
        %dma_wait3A_357 = tpu.memref_slice %arg4[%multiple_of3A_356] : memref<8388608xf32, #tpu.memory_space<hbm>> -> memref<2048xf32, #tpu.memory_space<hbm>>
        %dma_wait3A_358 = tpu.memref_slice %arg4[%multiple_of3A_356] : memref<8388608xf32, #tpu.memory_space<hbm>> -> memref<2048xf32, #tpu.memory_space<hbm>>
        tpu.wait_dma2 semaphore(%arg31 : memref<!tpu.dma_semaphore, #tpu.memory_space<semaphore_mem>>) src(%arg15 : memref<2048xf32, #tpu.memory_space<vmem>>) dst(%dma_wait3A_358 : memref<2048xf32, #tpu.memory_space<hbm>>)
      } else {
      }
      %scan3A_102 = arith.constant 0 : i32
      %scan3A_103 = arith.constant 0 : i32
      %scan3A_104 = arith.constant 16 : i32
      %scan3A_105 = arith.addi %scan3A_103, %scan3A_104 : i32
      %scan3A_106 = arith.constant 1 : i32
      %scan3A_107 = scf.for %scan3A_352 = %scan3A_103 to %scan3A_105 step %scan3A_106 iter_args(%scan3A_353 = %scan3A_102) -> (i32)  : i32 {
        %mul3A_354 = arith.constant 128 : i32
        %mul3A_355 = arith.muli %scan3A_352, %mul3A_354 : i32
        %multiple_of3A_356 = tpu.assume_multiple %mul3A_355, 128 : i32
        %add3A_357 = arith.constant 0 : i32
        %add3A_358 = arith.addi %multiple_of3A_356, %add3A_357 : i32
        %get3A = arith.index_cast %add3A_358 : i32 to index
        %get3A_359 = tpu.vector_load %arg7[%get3A] {strides = array<i32>} : memref<2048xi32, #tpu.memory_space<vmem>>, vector<16xi32>,
        %add3A_360 = arith.constant 16 : i32
        %add3A_361 = arith.addi %multiple_of3A_356, %add3A_360 : i32
        %get3A_362 = arith.index_cast %add3A_361 : i32 to index
        %get3A_363 = tpu.vector_load %arg7[%get3A_362] {strides = array<i32>} : memref<2048xi32, #tpu.memory_space<vmem>>, vector<16xi32>,
        %add3A_364 = arith.constant 32 : i32
        %add3A_365 = arith.addi %multiple_of3A_356, %add3A_364 : i32
        %get3A_366 = arith.index_cast %add3A_365 : i32 to index
        %get3A_367 = tpu.vector_load %arg7[%get3A_366] {strides = array<i32>} : memref<2048xi32, #tpu.memory_space<vmem>>, vector<16xi32>,
        %add3A_368 = arith.constant 48 : i32
        %add3A_369 = arith.addi %multiple_of3A_356, %add3A_368 : i32
        %get3A_370 = arith.index_cast %add3A_369 : i32 to index
        %get3A_371 = tpu.vector_load %arg7[%get3A_370] {strides = array<i32>} : memref<2048xi32, #tpu.memory_space<vmem>>, vector<16xi32>,
        %add3A_372 = arith.constant 64 : i32
        %add3A_373 = arith.addi %multiple_of3A_356, %add3A_372 : i32
        %get3A_374 = arith.index_cast %add3A_373 : i32 to index
        %get3A_375 = tpu.vector_load %arg7[%get3A_374] {strides = array<i32>} : memref<2048xi32, #tpu.memory_space<vmem>>, vector<16xi32>,
        %add3A_376 = arith.constant 80 : i32
        %add3A_377 = arith.addi %multiple_of3A_356, %add3A_376 : i32
        %get3A_378 = arith.index_cast %add3A_377 : i32 to index
        %get3A_379 = tpu.vector_load %arg7[%get3A_378] {strides = array<i32>} : memref<2048xi32, #tpu.memory_space<vmem>>, vector<16xi32>,
        %add3A_380 = arith.constant 96 : i32
        %add3A_381 = arith.addi %multiple_of3A_356, %add3A_380 : i32
        %get3A_382 = arith.index_cast %add3A_381 : i32 to index
        %get3A_383 = tpu.vector_load %arg7[%get3A_382] {strides = array<i32>} : memref<2048xi32, #tpu.memory_space<vmem>>, vector<16xi32>,
        %add3A_384 = arith.constant 112 : i32
        %add3A_385 = arith.addi %multiple_of3A_356, %add3A_384 : i32
        %get3A_386 = arith.index_cast %add3A_385 : i32 to index
        %get3A_387 = tpu.vector_load %arg7[%get3A_386] {strides = array<i32>} : memref<2048xi32, #tpu.memory_space<vmem>>, vector<16xi32>,
        %gather3A = tpu.vector_load_idx %arg5[%get3A_359] : memref<65536xf32, #tpu.memory_space<vmem>>[vector<16xi32>], vector<16xf32>,
        %gather3A_388 = tpu.vector_load_idx %arg5[%get3A_363] : memref<65536xf32, #tpu.memory_space<vmem>>[vector<16xi32>], vector<16xf32>,
        %gather3A_389 = tpu.vector_load_idx %arg5[%get3A_367] : memref<65536xf32, #tpu.memory_space<vmem>>[vector<16xi32>], vector<16xf32>,
        %gather3A_390 = tpu.vector_load_idx %arg5[%get3A_371] : memref<65536xf32, #tpu.memory_space<vmem>>[vector<16xi32>], vector<16xf32>,
        %gather3A_391 = tpu.vector_load_idx %arg5[%get3A_375] : memref<65536xf32, #tpu.memory_space<vmem>>[vector<16xi32>], vector<16xf32>,
        %gather3A_392 = tpu.vector_load_idx %arg5[%get3A_379] : memref<65536xf32, #tpu.memory_space<vmem>>[vector<16xi32>], vector<16xf32>,
        %gather3A_393 = tpu.vector_load_idx %arg5[%get3A_383] : memref<65536xf32, #tpu.memory_space<vmem>>[vector<16xi32>], vector<16xf32>,
        %gather3A_394 = tpu.vector_load_idx %arg5[%get3A_387] : memref<65536xf32, #tpu.memory_space<vmem>>[vector<16xi32>], vector<16xf32>,
        %add3A_395 = arith.constant 0 : i32
        %add3A_396 = arith.addi %multiple_of3A_356, %add3A_395 : i32
        %swap3A = arith.index_cast %add3A_396 : i32 to index
        %swap3A_397 = tpu.vector_load %arg15[%swap3A] {strides = array<i32>} : memref<2048xf32, #tpu.memory_space<vmem>>, vector<16xf32>,
        tpu.vector_store %arg15[%swap3A], %gather3A {strides = array<i32>} : memref<2048xf32, #tpu.memory_space<vmem>>, vector<16xf32>,
        %add3A_398 = arith.constant 16 : i32
        %add3A_399 = arith.addi %multiple_of3A_356, %add3A_398 : i32
        %swap3A_400 = arith.index_cast %add3A_399 : i32 to index
        %swap3A_401 = tpu.vector_load %arg15[%swap3A_400] {strides = array<i32>} : memref<2048xf32, #tpu.memory_space<vmem>>, vector<16xf32>,
        tpu.vector_store %arg15[%swap3A_400], %gather3A_388 {strides = array<i32>} : memref<2048xf32, #tpu.memory_space<vmem>>, vector<16xf32>,
        %add3A_402 = arith.constant 32 : i32
        %add3A_403 = arith.addi %multiple_of3A_356, %add3A_402 : i32
        %swap3A_404 = arith.index_cast %add3A_403 : i32 to index
        %swap3A_405 = tpu.vector_load %arg15[%swap3A_404] {strides = array<i32>} : memref<2048xf32, #tpu.memory_space<vmem>>, vector<16xf32>,
        tpu.vector_store %arg15[%swap3A_404], %gather3A_389 {strides = array<i32>} : memref<2048xf32, #tpu.memory_space<vmem>>, vector<16xf32>,
        %add3A_406 = arith.constant 48 : i32
        %add3A_407 = arith.addi %multiple_of3A_356, %add3A_406 : i32
        %swap3A_408 = arith.index_cast %add3A_407 : i32 to index
        %swap3A_409 = tpu.vector_load %arg15[%swap3A_408] {strides = array<i32>} : memref<2048xf32, #tpu.memory_space<vmem>>, vector<16xf32>,
        tpu.vector_store %arg15[%swap3A_408], %gather3A_390 {strides = array<i32>} : memref<2048xf32, #tpu.memory_space<vmem>>, vector<16xf32>,
        %add3A_410 = arith.constant 64 : i32
        %add3A_411 = arith.addi %multiple_of3A_356, %add3A_410 : i32
        %swap3A_412 = arith.index_cast %add3A_411 : i32 to index
        %swap3A_413 = tpu.vector_load %arg15[%swap3A_412] {strides = array<i32>} : memref<2048xf32, #tpu.memory_space<vmem>>, vector<16xf32>,
        tpu.vector_store %arg15[%swap3A_412], %gather3A_391 {strides = array<i32>} : memref<2048xf32, #tpu.memory_space<vmem>>, vector<16xf32>,
        %add3A_414 = arith.constant 80 : i32
        %add3A_415 = arith.addi %multiple_of3A_356, %add3A_414 : i32
        %swap3A_416 = arith.index_cast %add3A_415 : i32 to index
        %swap3A_417 = tpu.vector_load %arg15[%swap3A_416] {strides = array<i32>} : memref<2048xf32, #tpu.memory_space<vmem>>, vector<16xf32>,
        tpu.vector_store %arg15[%swap3A_416], %gather3A_392 {strides = array<i32>} : memref<2048xf32, #tpu.memory_space<vmem>>, vector<16xf32>,
        %add3A_418 = arith.constant 96 : i32
        %add3A_419 = arith.addi %multiple_of3A_356, %add3A_418 : i32
        %swap3A_420 = arith.index_cast %add3A_419 : i32 to index
        %swap3A_421 = tpu.vector_load %arg15[%swap3A_420] {strides = array<i32>} : memref<2048xf32, #tpu.memory_space<vmem>>, vector<16xf32>,
        tpu.vector_store %arg15[%swap3A_420], %gather3A_393 {strides = array<i32>} : memref<2048xf32, #tpu.memory_space<vmem>>, vector<16xf32>,
        %add3A_422 = arith.constant 112 : i32
        %add3A_423 = arith.addi %multiple_of3A_356, %add3A_422 : i32
        %swap3A_424 = arith.index_cast %add3A_423 : i32 to index
        %swap3A_425 = tpu.vector_load %arg15[%swap3A_424] {strides = array<i32>} : memref<2048xf32, #tpu.memory_space<vmem>>, vector<16xf32>,
        tpu.vector_store %arg15[%swap3A_424], %gather3A_394 {strides = array<i32>} : memref<2048xf32, #tpu.memory_space<vmem>>, vector<16xf32>,
        %scan3A_426 = arith.constant 0 : i32
        scf.yield %scan3A_426 : i32
      }
      %scan3A_108 = arith.constant 16 : i32
      %mul3A_109 = arith.constant 2048 : i32
      %mul3A_110 = arith.muli %add3A_93, %mul3A_109 : i32
      %add3A_111 = arith.addi %mul3A_2, %mul3A_110 : i32
      %multiple_of3A_112 = tpu.assume_multiple %add3A_111, 2048 : i32
      %dma_start3A_113 = tpu.memref_slice %arg4[%multiple_of3A_112] : memref<8388608xf32, #tpu.memory_space<hbm>> -> memref<2048xf32, #tpu.memory_space<hbm>>
      %dma_start3A_114 = tpu.memref_slice %arg4[%multiple_of3A_112] : memref<8388608xf32, #tpu.memory_space<hbm>> -> memref<2048xf32, #tpu.memory_space<hbm>>
      tpu.enqueue_dma source(%arg15 : memref<2048xf32, #tpu.memory_space<vmem>>) target(%dma_start3A_114 : memref<2048xf32, #tpu.memory_space<hbm>>) target_semaphore(%arg31 : memref<!tpu.dma_semaphore, #tpu.memory_space<semaphore_mem>>)
      %add3A_115 = arith.constant 8 : i32
      %add3A_116 = arith.addi %add3A_93, %add3A_115 : i32
      %lt3A = arith.constant 128 : i32
      %lt3A_117 = arith.cmpi slt, %add3A_116, %lt3A : i32
      %convert_element_type3A_118 = arith.extui %lt3A_117 : i1 to i32
      %cond3A_119 = arith.constant 0 : i32
      %cond3A_120 = arith.cmpi ne, %convert_element_type3A_118, %cond3A_119 : i32
      scf.if %cond3A_120 {
        %add3A_352 = arith.constant 8 : i32
        %add3A_353 = arith.addi %add3A_93, %add3A_352 : i32
        %mul3A_354 = arith.constant 2048 : i32
        %mul3A_355 = arith.muli %add3A_353, %mul3A_354 : i32
        %add3A_356 = arith.addi %mul3A_2, %mul3A_355 : i32
        %multiple_of3A_357 = tpu.assume_multiple %add3A_356, 2048 : i32
        %dma_start3A_358 = tpu.memref_slice %arg3[%multiple_of3A_357] : memref<8388608xi32, #tpu.memory_space<hbm>> -> memref<2048xi32, #tpu.memory_space<hbm>>
        %dma_start3A_359 = tpu.memref_slice %arg3[%multiple_of3A_357] : memref<8388608xi32, #tpu.memory_space<hbm>> -> memref<2048xi32, #tpu.memory_space<hbm>>
        tpu.enqueue_dma source(%dma_start3A_359 : memref<2048xi32, #tpu.memory_space<hbm>>) target(%arg7 : memref<2048xi32, #tpu.memory_space<vmem>>) target_semaphore(%arg23 : memref<!tpu.dma_semaphore, #tpu.memory_space<semaphore_mem>>)
      } else {
      }
      %add3A_121 = arith.constant 1 : i32
      %add3A_122 = arith.addi %add3A_91, %add3A_121 : i32
      %mul3A_123 = arith.constant 2048 : i32
      %mul3A_124 = arith.muli %add3A_122, %mul3A_123 : i32
      %add3A_125 = arith.addi %mul3A_2, %mul3A_124 : i32
      %multiple_of3A_126 = tpu.assume_multiple %add3A_125, 2048 : i32
      %dma_wait3A_127 = tpu.memref_slice %arg3[%multiple_of3A_126] : memref<8388608xi32, #tpu.memory_space<hbm>> -> memref<2048xi32, #tpu.memory_space<hbm>>
      %dma_wait3A_128 = tpu.memref_slice %arg3[%multiple_of3A_126] : memref<8388608xi32, #tpu.memory_space<hbm>> -> memref<2048xi32, #tpu.memory_space<hbm>>
      tpu.wait_dma2 semaphore(%arg24 : memref<!tpu.dma_semaphore, #tpu.memory_space<semaphore_mem>>) src(%dma_wait3A_128 : memref<2048xi32, #tpu.memory_space<hbm>>) dst(%arg8 : memref<2048xi32, #tpu.memory_space<vmem>>)
      %ge3A_129 = arith.constant 8 : i32
      %ge3A_130 = arith.cmpi sge, %add3A_122, %ge3A_129 : i32
      %convert_element_type3A_131 = arith.extui %ge3A_130 : i1 to i32
      %cond3A_132 = arith.constant 0 : i32
      %cond3A_133 = arith.cmpi ne, %convert_element_type3A_131, %cond3A_132 : i32
      scf.if %cond3A_133 {
        %sub3A = arith.constant 8 : i32
        %sub3A_352 = arith.subi %add3A_122, %sub3A : i32
        %mul3A_353 = arith.constant 2048 : i32
        %mul3A_354 = arith.muli %sub3A_352, %mul3A_353 : i32
        %add3A_355 = arith.addi %mul3A_2, %mul3A_354 : i32
        %multiple_of3A_356 = tpu.assume_multiple %add3A_355, 2048 : i32
        %dma_wait3A_357 = tpu.memref_slice %arg4[%multiple_of3A_356] : memref<8388608xf32, #tpu.memory_space<hbm>> -> memref<2048xf32, #tpu.memory_space<hbm>>
        %dma_wait3A_358 = tpu.memref_slice %arg4[%multiple_of3A_356] : memref<8388608xf32, #tpu.memory_space<hbm>> -> memref<2048xf32, #tpu.memory_space<hbm>>
        tpu.wait_dma2 semaphore(%arg32 : memref<!tpu.dma_semaphore, #tpu.memory_space<semaphore_mem>>) src(%arg16 : memref<2048xf32, #tpu.memory_space<vmem>>) dst(%dma_wait3A_358 : memref<2048xf32, #tpu.memory_space<hbm>>)
      } else {
      }
      %scan3A_134 = arith.constant 0 : i32
      %scan3A_135 = arith.constant 0 : i32
      %scan3A_136 = arith.constant 16 : i32
      %scan3A_137 = arith.addi %scan3A_135, %scan3A_136 : i32
      %scan3A_138 = arith.constant 1 : i32
      %scan3A_139 = scf.for %scan3A_352 = %scan3A_135 to %scan3A_137 step %scan3A_138 iter_args(%scan3A_353 = %scan3A_134) -> (i32)  : i32 {
        %mul3A_354 = arith.constant 128 : i32
        %mul3A_355 = arith.muli %scan3A_352, %mul3A_354 : i32
        %multiple_of3A_356 = tpu.assume_multiple %mul3A_355, 128 : i32
        %add3A_357 = arith.constant 0 : i32
        %add3A_358 = arith.addi %multiple_of3A_356, %add3A_357 : i32
        %get3A = arith.index_cast %add3A_358 : i32 to index
        %get3A_359 = tpu.vector_load %arg8[%get3A] {strides = array<i32>} : memref<2048xi32, #tpu.memory_space<vmem>>, vector<16xi32>,
        %add3A_360 = arith.constant 16 : i32
        %add3A_361 = arith.addi %multiple_of3A_356, %add3A_360 : i32
        %get3A_362 = arith.index_cast %add3A_361 : i32 to index
        %get3A_363 = tpu.vector_load %arg8[%get3A_362] {strides = array<i32>} : memref<2048xi32, #tpu.memory_space<vmem>>, vector<16xi32>,
        %add3A_364 = arith.constant 32 : i32
        %add3A_365 = arith.addi %multiple_of3A_356, %add3A_364 : i32
        %get3A_366 = arith.index_cast %add3A_365 : i32 to index
        %get3A_367 = tpu.vector_load %arg8[%get3A_366] {strides = array<i32>} : memref<2048xi32, #tpu.memory_space<vmem>>, vector<16xi32>,
        %add3A_368 = arith.constant 48 : i32
        %add3A_369 = arith.addi %multiple_of3A_356, %add3A_368 : i32
        %get3A_370 = arith.index_cast %add3A_369 : i32 to index
        %get3A_371 = tpu.vector_load %arg8[%get3A_370] {strides = array<i32>} : memref<2048xi32, #tpu.memory_space<vmem>>, vector<16xi32>,
        %add3A_372 = arith.constant 64 : i32
        %add3A_373 = arith.addi %multiple_of3A_356, %add3A_372 : i32
        %get3A_374 = arith.index_cast %add3A_373 : i32 to index
        %get3A_375 = tpu.vector_load %arg8[%get3A_374] {strides = array<i32>} : memref<2048xi32, #tpu.memory_space<vmem>>, vector<16xi32>,
        %add3A_376 = arith.constant 80 : i32
        %add3A_377 = arith.addi %multiple_of3A_356, %add3A_376 : i32
        %get3A_378 = arith.index_cast %add3A_377 : i32 to index
        %get3A_379 = tpu.vector_load %arg8[%get3A_378] {strides = array<i32>} : memref<2048xi32, #tpu.memory_space<vmem>>, vector<16xi32>,
        %add3A_380 = arith.constant 96 : i32
        %add3A_381 = arith.addi %multiple_of3A_356, %add3A_380 : i32
        %get3A_382 = arith.index_cast %add3A_381 : i32 to index
        %get3A_383 = tpu.vector_load %arg8[%get3A_382] {strides = array<i32>} : memref<2048xi32, #tpu.memory_space<vmem>>, vector<16xi32>,
        %add3A_384 = arith.constant 112 : i32
        %add3A_385 = arith.addi %multiple_of3A_356, %add3A_384 : i32
        %get3A_386 = arith.index_cast %add3A_385 : i32 to index
        %get3A_387 = tpu.vector_load %arg8[%get3A_386] {strides = array<i32>} : memref<2048xi32, #tpu.memory_space<vmem>>, vector<16xi32>,
        %gather3A = tpu.vector_load_idx %arg5[%get3A_359] : memref<65536xf32, #tpu.memory_space<vmem>>[vector<16xi32>], vector<16xf32>,
        %gather3A_388 = tpu.vector_load_idx %arg5[%get3A_363] : memref<65536xf32, #tpu.memory_space<vmem>>[vector<16xi32>], vector<16xf32>,
        %gather3A_389 = tpu.vector_load_idx %arg5[%get3A_367] : memref<65536xf32, #tpu.memory_space<vmem>>[vector<16xi32>], vector<16xf32>,
        %gather3A_390 = tpu.vector_load_idx %arg5[%get3A_371] : memref<65536xf32, #tpu.memory_space<vmem>>[vector<16xi32>], vector<16xf32>,
        %gather3A_391 = tpu.vector_load_idx %arg5[%get3A_375] : memref<65536xf32, #tpu.memory_space<vmem>>[vector<16xi32>], vector<16xf32>,
        %gather3A_392 = tpu.vector_load_idx %arg5[%get3A_379] : memref<65536xf32, #tpu.memory_space<vmem>>[vector<16xi32>], vector<16xf32>,
        %gather3A_393 = tpu.vector_load_idx %arg5[%get3A_383] : memref<65536xf32, #tpu.memory_space<vmem>>[vector<16xi32>], vector<16xf32>,
        %gather3A_394 = tpu.vector_load_idx %arg5[%get3A_387] : memref<65536xf32, #tpu.memory_space<vmem>>[vector<16xi32>], vector<16xf32>,
        %add3A_395 = arith.constant 0 : i32
        %add3A_396 = arith.addi %multiple_of3A_356, %add3A_395 : i32
        %swap3A = arith.index_cast %add3A_396 : i32 to index
        %swap3A_397 = tpu.vector_load %arg16[%swap3A] {strides = array<i32>} : memref<2048xf32, #tpu.memory_space<vmem>>, vector<16xf32>,
        tpu.vector_store %arg16[%swap3A], %gather3A {strides = array<i32>} : memref<2048xf32, #tpu.memory_space<vmem>>, vector<16xf32>,
        %add3A_398 = arith.constant 16 : i32
        %add3A_399 = arith.addi %multiple_of3A_356, %add3A_398 : i32
        %swap3A_400 = arith.index_cast %add3A_399 : i32 to index
        %swap3A_401 = tpu.vector_load %arg16[%swap3A_400] {strides = array<i32>} : memref<2048xf32, #tpu.memory_space<vmem>>, vector<16xf32>,
        tpu.vector_store %arg16[%swap3A_400], %gather3A_388 {strides = array<i32>} : memref<2048xf32, #tpu.memory_space<vmem>>, vector<16xf32>,
        %add3A_402 = arith.constant 32 : i32
        %add3A_403 = arith.addi %multiple_of3A_356, %add3A_402 : i32
        %swap3A_404 = arith.index_cast %add3A_403 : i32 to index
        %swap3A_405 = tpu.vector_load %arg16[%swap3A_404] {strides = array<i32>} : memref<2048xf32, #tpu.memory_space<vmem>>, vector<16xf32>,
        tpu.vector_store %arg16[%swap3A_404], %gather3A_389 {strides = array<i32>} : memref<2048xf32, #tpu.memory_space<vmem>>, vector<16xf32>,
        %add3A_406 = arith.constant 48 : i32
        %add3A_407 = arith.addi %multiple_of3A_356, %add3A_406 : i32
        %swap3A_408 = arith.index_cast %add3A_407 : i32 to index
        %swap3A_409 = tpu.vector_load %arg16[%swap3A_408] {strides = array<i32>} : memref<2048xf32, #tpu.memory_space<vmem>>, vector<16xf32>,
        tpu.vector_store %arg16[%swap3A_408], %gather3A_390 {strides = array<i32>} : memref<2048xf32, #tpu.memory_space<vmem>>, vector<16xf32>,
        %add3A_410 = arith.constant 64 : i32
        %add3A_411 = arith.addi %multiple_of3A_356, %add3A_410 : i32
        %swap3A_412 = arith.index_cast %add3A_411 : i32 to index
        %swap3A_413 = tpu.vector_load %arg16[%swap3A_412] {strides = array<i32>} : memref<2048xf32, #tpu.memory_space<vmem>>, vector<16xf32>,
        tpu.vector_store %arg16[%swap3A_412], %gather3A_391 {strides = array<i32>} : memref<2048xf32, #tpu.memory_space<vmem>>, vector<16xf32>,
        %add3A_414 = arith.constant 80 : i32
        %add3A_415 = arith.addi %multiple_of3A_356, %add3A_414 : i32
        %swap3A_416 = arith.index_cast %add3A_415 : i32 to index
        %swap3A_417 = tpu.vector_load %arg16[%swap3A_416] {strides = array<i32>} : memref<2048xf32, #tpu.memory_space<vmem>>, vector<16xf32>,
        tpu.vector_store %arg16[%swap3A_416], %gather3A_392 {strides = array<i32>} : memref<2048xf32, #tpu.memory_space<vmem>>, vector<16xf32>,
        %add3A_418 = arith.constant 96 : i32
        %add3A_419 = arith.addi %multiple_of3A_356, %add3A_418 : i32
        %swap3A_420 = arith.index_cast %add3A_419 : i32 to index
        %swap3A_421 = tpu.vector_load %arg16[%swap3A_420] {strides = array<i32>} : memref<2048xf32, #tpu.memory_space<vmem>>, vector<16xf32>,
        tpu.vector_store %arg16[%swap3A_420], %gather3A_393 {strides = array<i32>} : memref<2048xf32, #tpu.memory_space<vmem>>, vector<16xf32>,
        %add3A_422 = arith.constant 112 : i32
        %add3A_423 = arith.addi %multiple_of3A_356, %add3A_422 : i32
        %swap3A_424 = arith.index_cast %add3A_423 : i32 to index
        %swap3A_425 = tpu.vector_load %arg16[%swap3A_424] {strides = array<i32>} : memref<2048xf32, #tpu.memory_space<vmem>>, vector<16xf32>,
        tpu.vector_store %arg16[%swap3A_424], %gather3A_394 {strides = array<i32>} : memref<2048xf32, #tpu.memory_space<vmem>>, vector<16xf32>,
        %scan3A_426 = arith.constant 0 : i32
        scf.yield %scan3A_426 : i32
      }
      %scan3A_140 = arith.constant 16 : i32
      %mul3A_141 = arith.constant 2048 : i32
      %mul3A_142 = arith.muli %add3A_122, %mul3A_141 : i32
      %add3A_143 = arith.addi %mul3A_2, %mul3A_142 : i32
      %multiple_of3A_144 = tpu.assume_multiple %add3A_143, 2048 : i32
      %dma_start3A_145 = tpu.memref_slice %arg4[%multiple_of3A_144] : memref<8388608xf32, #tpu.memory_space<hbm>> -> memref<2048xf32, #tpu.memory_space<hbm>>
      %dma_start3A_146 = tpu.memref_slice %arg4[%multiple_of3A_144] : memref<8388608xf32, #tpu.memory_space<hbm>> -> memref<2048xf32, #tpu.memory_space<hbm>>
      tpu.enqueue_dma source(%arg16 : memref<2048xf32, #tpu.memory_space<vmem>>) target(%dma_start3A_146 : memref<2048xf32, #tpu.memory_space<hbm>>) target_semaphore(%arg32 : memref<!tpu.dma_semaphore, #tpu.memory_space<semaphore_mem>>)
      %add3A_147 = arith.constant 8 : i32
      %add3A_148 = arith.addi %add3A_122, %add3A_147 : i32
      %lt3A_149 = arith.constant 128 : i32
      %lt3A_150 = arith.cmpi slt, %add3A_148, %lt3A_149 : i32
      %convert_element_type3A_151 = arith.extui %lt3A_150 : i1 to i32
      %cond3A_152 = arith.constant 0 : i32
      %cond3A_153 = arith.cmpi ne, %convert_element_type3A_151, %cond3A_152 : i32
      scf.if %cond3A_153 {
        %add3A_352 = arith.constant 8 : i32
        %add3A_353 = arith.addi %add3A_122, %add3A_352 : i32
        %mul3A_354 = arith.constant 2048 : i32
        %mul3A_355 = arith.muli %add3A_353, %mul3A_354 : i32
        %add3A_356 = arith.addi %mul3A_2, %mul3A_355 : i32
        %multiple_of3A_357 = tpu.assume_multiple %add3A_356, 2048 : i32
        %dma_start3A_358 = tpu.memref_slice %arg3[%multiple_of3A_357] : memref<8388608xi32, #tpu.memory_space<hbm>> -> memref<2048xi32, #tpu.memory_space<hbm>>
        %dma_start3A_359 = tpu.memref_slice %arg3[%multiple_of3A_357] : memref<8388608xi32, #tpu.memory_space<hbm>> -> memref<2048xi32, #tpu.memory_space<hbm>>
        tpu.enqueue_dma source(%dma_start3A_359 : memref<2048xi32, #tpu.memory_space<hbm>>) target(%arg8 : memref<2048xi32, #tpu.memory_space<vmem>>) target_semaphore(%arg24 : memref<!tpu.dma_semaphore, #tpu.memory_space<semaphore_mem>>)
      } else {
      }
      %add3A_154 = arith.constant 2 : i32
      %add3A_155 = arith.addi %add3A_91, %add3A_154 : i32
      %mul3A_156 = arith.constant 2048 : i32
      %mul3A_157 = arith.muli %add3A_155, %mul3A_156 : i32
      %add3A_158 = arith.addi %mul3A_2, %mul3A_157 : i32
      %multiple_of3A_159 = tpu.assume_multiple %add3A_158, 2048 : i32
      %dma_wait3A_160 = tpu.memref_slice %arg3[%multiple_of3A_159] : memref<8388608xi32, #tpu.memory_space<hbm>> -> memref<2048xi32, #tpu.memory_space<hbm>>
      %dma_wait3A_161 = tpu.memref_slice %arg3[%multiple_of3A_159] : memref<8388608xi32, #tpu.memory_space<hbm>> -> memref<2048xi32, #tpu.memory_space<hbm>>
      tpu.wait_dma2 semaphore(%arg25 : memref<!tpu.dma_semaphore, #tpu.memory_space<semaphore_mem>>) src(%dma_wait3A_161 : memref<2048xi32, #tpu.memory_space<hbm>>) dst(%arg9 : memref<2048xi32, #tpu.memory_space<vmem>>)
      %ge3A_162 = arith.constant 8 : i32
      %ge3A_163 = arith.cmpi sge, %add3A_155, %ge3A_162 : i32
      %convert_element_type3A_164 = arith.extui %ge3A_163 : i1 to i32
      %cond3A_165 = arith.constant 0 : i32
      %cond3A_166 = arith.cmpi ne, %convert_element_type3A_164, %cond3A_165 : i32
      scf.if %cond3A_166 {
        %sub3A = arith.constant 8 : i32
        %sub3A_352 = arith.subi %add3A_155, %sub3A : i32
        %mul3A_353 = arith.constant 2048 : i32
        %mul3A_354 = arith.muli %sub3A_352, %mul3A_353 : i32
        %add3A_355 = arith.addi %mul3A_2, %mul3A_354 : i32
        %multiple_of3A_356 = tpu.assume_multiple %add3A_355, 2048 : i32
        %dma_wait3A_357 = tpu.memref_slice %arg4[%multiple_of3A_356] : memref<8388608xf32, #tpu.memory_space<hbm>> -> memref<2048xf32, #tpu.memory_space<hbm>>
        %dma_wait3A_358 = tpu.memref_slice %arg4[%multiple_of3A_356] : memref<8388608xf32, #tpu.memory_space<hbm>> -> memref<2048xf32, #tpu.memory_space<hbm>>
        tpu.wait_dma2 semaphore(%arg33 : memref<!tpu.dma_semaphore, #tpu.memory_space<semaphore_mem>>) src(%arg17 : memref<2048xf32, #tpu.memory_space<vmem>>) dst(%dma_wait3A_358 : memref<2048xf32, #tpu.memory_space<hbm>>)
      } else {
      }
      %scan3A_167 = arith.constant 0 : i32
      %scan3A_168 = arith.constant 0 : i32
      %scan3A_169 = arith.constant 16 : i32
      %scan3A_170 = arith.addi %scan3A_168, %scan3A_169 : i32
      %scan3A_171 = arith.constant 1 : i32
      %scan3A_172 = scf.for %scan3A_352 = %scan3A_168 to %scan3A_170 step %scan3A_171 iter_args(%scan3A_353 = %scan3A_167) -> (i32)  : i32 {
        %mul3A_354 = arith.constant 128 : i32
        %mul3A_355 = arith.muli %scan3A_352, %mul3A_354 : i32
        %multiple_of3A_356 = tpu.assume_multiple %mul3A_355, 128 : i32
        %add3A_357 = arith.constant 0 : i32
        %add3A_358 = arith.addi %multiple_of3A_356, %add3A_357 : i32
        %get3A = arith.index_cast %add3A_358 : i32 to index
        %get3A_359 = tpu.vector_load %arg9[%get3A] {strides = array<i32>} : memref<2048xi32, #tpu.memory_space<vmem>>, vector<16xi32>,
        %add3A_360 = arith.constant 16 : i32
        %add3A_361 = arith.addi %multiple_of3A_356, %add3A_360 : i32
        %get3A_362 = arith.index_cast %add3A_361 : i32 to index
        %get3A_363 = tpu.vector_load %arg9[%get3A_362] {strides = array<i32>} : memref<2048xi32, #tpu.memory_space<vmem>>, vector<16xi32>,
        %add3A_364 = arith.constant 32 : i32
        %add3A_365 = arith.addi %multiple_of3A_356, %add3A_364 : i32
        %get3A_366 = arith.index_cast %add3A_365 : i32 to index
        %get3A_367 = tpu.vector_load %arg9[%get3A_366] {strides = array<i32>} : memref<2048xi32, #tpu.memory_space<vmem>>, vector<16xi32>,
        %add3A_368 = arith.constant 48 : i32
        %add3A_369 = arith.addi %multiple_of3A_356, %add3A_368 : i32
        %get3A_370 = arith.index_cast %add3A_369 : i32 to index
        %get3A_371 = tpu.vector_load %arg9[%get3A_370] {strides = array<i32>} : memref<2048xi32, #tpu.memory_space<vmem>>, vector<16xi32>,
        %add3A_372 = arith.constant 64 : i32
        %add3A_373 = arith.addi %multiple_of3A_356, %add3A_372 : i32
        %get3A_374 = arith.index_cast %add3A_373 : i32 to index
        %get3A_375 = tpu.vector_load %arg9[%get3A_374] {strides = array<i32>} : memref<2048xi32, #tpu.memory_space<vmem>>, vector<16xi32>,
        %add3A_376 = arith.constant 80 : i32
        %add3A_377 = arith.addi %multiple_of3A_356, %add3A_376 : i32
        %get3A_378 = arith.index_cast %add3A_377 : i32 to index
        %get3A_379 = tpu.vector_load %arg9[%get3A_378] {strides = array<i32>} : memref<2048xi32, #tpu.memory_space<vmem>>, vector<16xi32>,
        %add3A_380 = arith.constant 96 : i32
        %add3A_381 = arith.addi %multiple_of3A_356, %add3A_380 : i32
        %get3A_382 = arith.index_cast %add3A_381 : i32 to index
        %get3A_383 = tpu.vector_load %arg9[%get3A_382] {strides = array<i32>} : memref<2048xi32, #tpu.memory_space<vmem>>, vector<16xi32>,
        %add3A_384 = arith.constant 112 : i32
        %add3A_385 = arith.addi %multiple_of3A_356, %add3A_384 : i32
        %get3A_386 = arith.index_cast %add3A_385 : i32 to index
        %get3A_387 = tpu.vector_load %arg9[%get3A_386] {strides = array<i32>} : memref<2048xi32, #tpu.memory_space<vmem>>, vector<16xi32>,
        %gather3A = tpu.vector_load_idx %arg5[%get3A_359] : memref<65536xf32, #tpu.memory_space<vmem>>[vector<16xi32>], vector<16xf32>,
        %gather3A_388 = tpu.vector_load_idx %arg5[%get3A_363] : memref<65536xf32, #tpu.memory_space<vmem>>[vector<16xi32>], vector<16xf32>,
        %gather3A_389 = tpu.vector_load_idx %arg5[%get3A_367] : memref<65536xf32, #tpu.memory_space<vmem>>[vector<16xi32>], vector<16xf32>,
        %gather3A_390 = tpu.vector_load_idx %arg5[%get3A_371] : memref<65536xf32, #tpu.memory_space<vmem>>[vector<16xi32>], vector<16xf32>,
        %gather3A_391 = tpu.vector_load_idx %arg5[%get3A_375] : memref<65536xf32, #tpu.memory_space<vmem>>[vector<16xi32>], vector<16xf32>,
        %gather3A_392 = tpu.vector_load_idx %arg5[%get3A_379] : memref<65536xf32, #tpu.memory_space<vmem>>[vector<16xi32>], vector<16xf32>,
        %gather3A_393 = tpu.vector_load_idx %arg5[%get3A_383] : memref<65536xf32, #tpu.memory_space<vmem>>[vector<16xi32>], vector<16xf32>,
        %gather3A_394 = tpu.vector_load_idx %arg5[%get3A_387] : memref<65536xf32, #tpu.memory_space<vmem>>[vector<16xi32>], vector<16xf32>,
        %add3A_395 = arith.constant 0 : i32
        %add3A_396 = arith.addi %multiple_of3A_356, %add3A_395 : i32
        %swap3A = arith.index_cast %add3A_396 : i32 to index
        %swap3A_397 = tpu.vector_load %arg17[%swap3A] {strides = array<i32>} : memref<2048xf32, #tpu.memory_space<vmem>>, vector<16xf32>,
        tpu.vector_store %arg17[%swap3A], %gather3A {strides = array<i32>} : memref<2048xf32, #tpu.memory_space<vmem>>, vector<16xf32>,
        %add3A_398 = arith.constant 16 : i32
        %add3A_399 = arith.addi %multiple_of3A_356, %add3A_398 : i32
        %swap3A_400 = arith.index_cast %add3A_399 : i32 to index
        %swap3A_401 = tpu.vector_load %arg17[%swap3A_400] {strides = array<i32>} : memref<2048xf32, #tpu.memory_space<vmem>>, vector<16xf32>,
        tpu.vector_store %arg17[%swap3A_400], %gather3A_388 {strides = array<i32>} : memref<2048xf32, #tpu.memory_space<vmem>>, vector<16xf32>,
        %add3A_402 = arith.constant 32 : i32
        %add3A_403 = arith.addi %multiple_of3A_356, %add3A_402 : i32
        %swap3A_404 = arith.index_cast %add3A_403 : i32 to index
        %swap3A_405 = tpu.vector_load %arg17[%swap3A_404] {strides = array<i32>} : memref<2048xf32, #tpu.memory_space<vmem>>, vector<16xf32>,
        tpu.vector_store %arg17[%swap3A_404], %gather3A_389 {strides = array<i32>} : memref<2048xf32, #tpu.memory_space<vmem>>, vector<16xf32>,
        %add3A_406 = arith.constant 48 : i32
        %add3A_407 = arith.addi %multiple_of3A_356, %add3A_406 : i32
        %swap3A_408 = arith.index_cast %add3A_407 : i32 to index
        %swap3A_409 = tpu.vector_load %arg17[%swap3A_408] {strides = array<i32>} : memref<2048xf32, #tpu.memory_space<vmem>>, vector<16xf32>,
        tpu.vector_store %arg17[%swap3A_408], %gather3A_390 {strides = array<i32>} : memref<2048xf32, #tpu.memory_space<vmem>>, vector<16xf32>,
        %add3A_410 = arith.constant 64 : i32
        %add3A_411 = arith.addi %multiple_of3A_356, %add3A_410 : i32
        %swap3A_412 = arith.index_cast %add3A_411 : i32 to index
        %swap3A_413 = tpu.vector_load %arg17[%swap3A_412] {strides = array<i32>} : memref<2048xf32, #tpu.memory_space<vmem>>, vector<16xf32>,
        tpu.vector_store %arg17[%swap3A_412], %gather3A_391 {strides = array<i32>} : memref<2048xf32, #tpu.memory_space<vmem>>, vector<16xf32>,
        %add3A_414 = arith.constant 80 : i32
        %add3A_415 = arith.addi %multiple_of3A_356, %add3A_414 : i32
        %swap3A_416 = arith.index_cast %add3A_415 : i32 to index
        %swap3A_417 = tpu.vector_load %arg17[%swap3A_416] {strides = array<i32>} : memref<2048xf32, #tpu.memory_space<vmem>>, vector<16xf32>,
        tpu.vector_store %arg17[%swap3A_416], %gather3A_392 {strides = array<i32>} : memref<2048xf32, #tpu.memory_space<vmem>>, vector<16xf32>,
        %add3A_418 = arith.constant 96 : i32
        %add3A_419 = arith.addi %multiple_of3A_356, %add3A_418 : i32
        %swap3A_420 = arith.index_cast %add3A_419 : i32 to index
        %swap3A_421 = tpu.vector_load %arg17[%swap3A_420] {strides = array<i32>} : memref<2048xf32, #tpu.memory_space<vmem>>, vector<16xf32>,
        tpu.vector_store %arg17[%swap3A_420], %gather3A_393 {strides = array<i32>} : memref<2048xf32, #tpu.memory_space<vmem>>, vector<16xf32>,
        %add3A_422 = arith.constant 112 : i32
        %add3A_423 = arith.addi %multiple_of3A_356, %add3A_422 : i32
        %swap3A_424 = arith.index_cast %add3A_423 : i32 to index
        %swap3A_425 = tpu.vector_load %arg17[%swap3A_424] {strides = array<i32>} : memref<2048xf32, #tpu.memory_space<vmem>>, vector<16xf32>,
        tpu.vector_store %arg17[%swap3A_424], %gather3A_394 {strides = array<i32>} : memref<2048xf32, #tpu.memory_space<vmem>>, vector<16xf32>,
        %scan3A_426 = arith.constant 0 : i32
        scf.yield %scan3A_426 : i32
      }
      %scan3A_173 = arith.constant 16 : i32
      %mul3A_174 = arith.constant 2048 : i32
      %mul3A_175 = arith.muli %add3A_155, %mul3A_174 : i32
      %add3A_176 = arith.addi %mul3A_2, %mul3A_175 : i32
      %multiple_of3A_177 = tpu.assume_multiple %add3A_176, 2048 : i32
      %dma_start3A_178 = tpu.memref_slice %arg4[%multiple_of3A_177] : memref<8388608xf32, #tpu.memory_space<hbm>> -> memref<2048xf32, #tpu.memory_space<hbm>>
      %dma_start3A_179 = tpu.memref_slice %arg4[%multiple_of3A_177] : memref<8388608xf32, #tpu.memory_space<hbm>> -> memref<2048xf32, #tpu.memory_space<hbm>>
      tpu.enqueue_dma source(%arg17 : memref<2048xf32, #tpu.memory_space<vmem>>) target(%dma_start3A_179 : memref<2048xf32, #tpu.memory_space<hbm>>) target_semaphore(%arg33 : memref<!tpu.dma_semaphore, #tpu.memory_space<semaphore_mem>>)
      %add3A_180 = arith.constant 8 : i32
      %add3A_181 = arith.addi %add3A_155, %add3A_180 : i32
      %lt3A_182 = arith.constant 128 : i32
      %lt3A_183 = arith.cmpi slt, %add3A_181, %lt3A_182 : i32
      %convert_element_type3A_184 = arith.extui %lt3A_183 : i1 to i32
      %cond3A_185 = arith.constant 0 : i32
      %cond3A_186 = arith.cmpi ne, %convert_element_type3A_184, %cond3A_185 : i32
      scf.if %cond3A_186 {
        %add3A_352 = arith.constant 8 : i32
        %add3A_353 = arith.addi %add3A_155, %add3A_352 : i32
        %mul3A_354 = arith.constant 2048 : i32
        %mul3A_355 = arith.muli %add3A_353, %mul3A_354 : i32
        %add3A_356 = arith.addi %mul3A_2, %mul3A_355 : i32
        %multiple_of3A_357 = tpu.assume_multiple %add3A_356, 2048 : i32
        %dma_start3A_358 = tpu.memref_slice %arg3[%multiple_of3A_357] : memref<8388608xi32, #tpu.memory_space<hbm>> -> memref<2048xi32, #tpu.memory_space<hbm>>
        %dma_start3A_359 = tpu.memref_slice %arg3[%multiple_of3A_357] : memref<8388608xi32, #tpu.memory_space<hbm>> -> memref<2048xi32, #tpu.memory_space<hbm>>
        tpu.enqueue_dma source(%dma_start3A_359 : memref<2048xi32, #tpu.memory_space<hbm>>) target(%arg9 : memref<2048xi32, #tpu.memory_space<vmem>>) target_semaphore(%arg25 : memref<!tpu.dma_semaphore, #tpu.memory_space<semaphore_mem>>)
      } else {
      }
      %add3A_187 = arith.constant 3 : i32
      %add3A_188 = arith.addi %add3A_91, %add3A_187 : i32
      %mul3A_189 = arith.constant 2048 : i32
      %mul3A_190 = arith.muli %add3A_188, %mul3A_189 : i32
      %add3A_191 = arith.addi %mul3A_2, %mul3A_190 : i32
      %multiple_of3A_192 = tpu.assume_multiple %add3A_191, 2048 : i32
      %dma_wait3A_193 = tpu.memref_slice %arg3[%multiple_of3A_192] : memref<8388608xi32, #tpu.memory_space<hbm>> -> memref<2048xi32, #tpu.memory_space<hbm>>
      %dma_wait3A_194 = tpu.memref_slice %arg3[%multiple_of3A_192] : memref<8388608xi32, #tpu.memory_space<hbm>> -> memref<2048xi32, #tpu.memory_space<hbm>>
      tpu.wait_dma2 semaphore(%arg26 : memref<!tpu.dma_semaphore, #tpu.memory_space<semaphore_mem>>) src(%dma_wait3A_194 : memref<2048xi32, #tpu.memory_space<hbm>>) dst(%arg10 : memref<2048xi32, #tpu.memory_space<vmem>>)
      %ge3A_195 = arith.constant 8 : i32
      %ge3A_196 = arith.cmpi sge, %add3A_188, %ge3A_195 : i32
      %convert_element_type3A_197 = arith.extui %ge3A_196 : i1 to i32
      %cond3A_198 = arith.constant 0 : i32
      %cond3A_199 = arith.cmpi ne, %convert_element_type3A_197, %cond3A_198 : i32
      scf.if %cond3A_199 {
        %sub3A = arith.constant 8 : i32
        %sub3A_352 = arith.subi %add3A_188, %sub3A : i32
        %mul3A_353 = arith.constant 2048 : i32
        %mul3A_354 = arith.muli %sub3A_352, %mul3A_353 : i32
        %add3A_355 = arith.addi %mul3A_2, %mul3A_354 : i32
        %multiple_of3A_356 = tpu.assume_multiple %add3A_355, 2048 : i32
        %dma_wait3A_357 = tpu.memref_slice %arg4[%multiple_of3A_356] : memref<8388608xf32, #tpu.memory_space<hbm>> -> memref<2048xf32, #tpu.memory_space<hbm>>
        %dma_wait3A_358 = tpu.memref_slice %arg4[%multiple_of3A_356] : memref<8388608xf32, #tpu.memory_space<hbm>> -> memref<2048xf32, #tpu.memory_space<hbm>>
        tpu.wait_dma2 semaphore(%arg34 : memref<!tpu.dma_semaphore, #tpu.memory_space<semaphore_mem>>) src(%arg18 : memref<2048xf32, #tpu.memory_space<vmem>>) dst(%dma_wait3A_358 : memref<2048xf32, #tpu.memory_space<hbm>>)
      } else {
      }
      %scan3A_200 = arith.constant 0 : i32
      %scan3A_201 = arith.constant 0 : i32
      %scan3A_202 = arith.constant 16 : i32
      %scan3A_203 = arith.addi %scan3A_201, %scan3A_202 : i32
      %scan3A_204 = arith.constant 1 : i32
      %scan3A_205 = scf.for %scan3A_352 = %scan3A_201 to %scan3A_203 step %scan3A_204 iter_args(%scan3A_353 = %scan3A_200) -> (i32)  : i32 {
        %mul3A_354 = arith.constant 128 : i32
        %mul3A_355 = arith.muli %scan3A_352, %mul3A_354 : i32
        %multiple_of3A_356 = tpu.assume_multiple %mul3A_355, 128 : i32
        %add3A_357 = arith.constant 0 : i32
        %add3A_358 = arith.addi %multiple_of3A_356, %add3A_357 : i32
        %get3A = arith.index_cast %add3A_358 : i32 to index
        %get3A_359 = tpu.vector_load %arg10[%get3A] {strides = array<i32>} : memref<2048xi32, #tpu.memory_space<vmem>>, vector<16xi32>,
        %add3A_360 = arith.constant 16 : i32
        %add3A_361 = arith.addi %multiple_of3A_356, %add3A_360 : i32
        %get3A_362 = arith.index_cast %add3A_361 : i32 to index
        %get3A_363 = tpu.vector_load %arg10[%get3A_362] {strides = array<i32>} : memref<2048xi32, #tpu.memory_space<vmem>>, vector<16xi32>,
        %add3A_364 = arith.constant 32 : i32
        %add3A_365 = arith.addi %multiple_of3A_356, %add3A_364 : i32
        %get3A_366 = arith.index_cast %add3A_365 : i32 to index
        %get3A_367 = tpu.vector_load %arg10[%get3A_366] {strides = array<i32>} : memref<2048xi32, #tpu.memory_space<vmem>>, vector<16xi32>,
        %add3A_368 = arith.constant 48 : i32
        %add3A_369 = arith.addi %multiple_of3A_356, %add3A_368 : i32
        %get3A_370 = arith.index_cast %add3A_369 : i32 to index
        %get3A_371 = tpu.vector_load %arg10[%get3A_370] {strides = array<i32>} : memref<2048xi32, #tpu.memory_space<vmem>>, vector<16xi32>,
        %add3A_372 = arith.constant 64 : i32
        %add3A_373 = arith.addi %multiple_of3A_356, %add3A_372 : i32
        %get3A_374 = arith.index_cast %add3A_373 : i32 to index
        %get3A_375 = tpu.vector_load %arg10[%get3A_374] {strides = array<i32>} : memref<2048xi32, #tpu.memory_space<vmem>>, vector<16xi32>,
        %add3A_376 = arith.constant 80 : i32
        %add3A_377 = arith.addi %multiple_of3A_356, %add3A_376 : i32
        %get3A_378 = arith.index_cast %add3A_377 : i32 to index
        %get3A_379 = tpu.vector_load %arg10[%get3A_378] {strides = array<i32>} : memref<2048xi32, #tpu.memory_space<vmem>>, vector<16xi32>,
        %add3A_380 = arith.constant 96 : i32
        %add3A_381 = arith.addi %multiple_of3A_356, %add3A_380 : i32
        %get3A_382 = arith.index_cast %add3A_381 : i32 to index
        %get3A_383 = tpu.vector_load %arg10[%get3A_382] {strides = array<i32>} : memref<2048xi32, #tpu.memory_space<vmem>>, vector<16xi32>,
        %add3A_384 = arith.constant 112 : i32
        %add3A_385 = arith.addi %multiple_of3A_356, %add3A_384 : i32
        %get3A_386 = arith.index_cast %add3A_385 : i32 to index
        %get3A_387 = tpu.vector_load %arg10[%get3A_386] {strides = array<i32>} : memref<2048xi32, #tpu.memory_space<vmem>>, vector<16xi32>,
        %gather3A = tpu.vector_load_idx %arg5[%get3A_359] : memref<65536xf32, #tpu.memory_space<vmem>>[vector<16xi32>], vector<16xf32>,
        %gather3A_388 = tpu.vector_load_idx %arg5[%get3A_363] : memref<65536xf32, #tpu.memory_space<vmem>>[vector<16xi32>], vector<16xf32>,
        %gather3A_389 = tpu.vector_load_idx %arg5[%get3A_367] : memref<65536xf32, #tpu.memory_space<vmem>>[vector<16xi32>], vector<16xf32>,
        %gather3A_390 = tpu.vector_load_idx %arg5[%get3A_371] : memref<65536xf32, #tpu.memory_space<vmem>>[vector<16xi32>], vector<16xf32>,
        %gather3A_391 = tpu.vector_load_idx %arg5[%get3A_375] : memref<65536xf32, #tpu.memory_space<vmem>>[vector<16xi32>], vector<16xf32>,
        %gather3A_392 = tpu.vector_load_idx %arg5[%get3A_379] : memref<65536xf32, #tpu.memory_space<vmem>>[vector<16xi32>], vector<16xf32>,
        %gather3A_393 = tpu.vector_load_idx %arg5[%get3A_383] : memref<65536xf32, #tpu.memory_space<vmem>>[vector<16xi32>], vector<16xf32>,
        %gather3A_394 = tpu.vector_load_idx %arg5[%get3A_387] : memref<65536xf32, #tpu.memory_space<vmem>>[vector<16xi32>], vector<16xf32>,
        %add3A_395 = arith.constant 0 : i32
        %add3A_396 = arith.addi %multiple_of3A_356, %add3A_395 : i32
        %swap3A = arith.index_cast %add3A_396 : i32 to index
        %swap3A_397 = tpu.vector_load %arg18[%swap3A] {strides = array<i32>} : memref<2048xf32, #tpu.memory_space<vmem>>, vector<16xf32>,
        tpu.vector_store %arg18[%swap3A], %gather3A {strides = array<i32>} : memref<2048xf32, #tpu.memory_space<vmem>>, vector<16xf32>,
        %add3A_398 = arith.constant 16 : i32
        %add3A_399 = arith.addi %multiple_of3A_356, %add3A_398 : i32
        %swap3A_400 = arith.index_cast %add3A_399 : i32 to index
        %swap3A_401 = tpu.vector_load %arg18[%swap3A_400] {strides = array<i32>} : memref<2048xf32, #tpu.memory_space<vmem>>, vector<16xf32>,
        tpu.vector_store %arg18[%swap3A_400], %gather3A_388 {strides = array<i32>} : memref<2048xf32, #tpu.memory_space<vmem>>, vector<16xf32>,
        %add3A_402 = arith.constant 32 : i32
        %add3A_403 = arith.addi %multiple_of3A_356, %add3A_402 : i32
        %swap3A_404 = arith.index_cast %add3A_403 : i32 to index
        %swap3A_405 = tpu.vector_load %arg18[%swap3A_404] {strides = array<i32>} : memref<2048xf32, #tpu.memory_space<vmem>>, vector<16xf32>,
        tpu.vector_store %arg18[%swap3A_404], %gather3A_389 {strides = array<i32>} : memref<2048xf32, #tpu.memory_space<vmem>>, vector<16xf32>,
        %add3A_406 = arith.constant 48 : i32
        %add3A_407 = arith.addi %multiple_of3A_356, %add3A_406 : i32
        %swap3A_408 = arith.index_cast %add3A_407 : i32 to index
        %swap3A_409 = tpu.vector_load %arg18[%swap3A_408] {strides = array<i32>} : memref<2048xf32, #tpu.memory_space<vmem>>, vector<16xf32>,
        tpu.vector_store %arg18[%swap3A_408], %gather3A_390 {strides = array<i32>} : memref<2048xf32, #tpu.memory_space<vmem>>, vector<16xf32>,
        %add3A_410 = arith.constant 64 : i32
        %add3A_411 = arith.addi %multiple_of3A_356, %add3A_410 : i32
        %swap3A_412 = arith.index_cast %add3A_411 : i32 to index
        %swap3A_413 = tpu.vector_load %arg18[%swap3A_412] {strides = array<i32>} : memref<2048xf32, #tpu.memory_space<vmem>>, vector<16xf32>,
        tpu.vector_store %arg18[%swap3A_412], %gather3A_391 {strides = array<i32>} : memref<2048xf32, #tpu.memory_space<vmem>>, vector<16xf32>,
        %add3A_414 = arith.constant 80 : i32
        %add3A_415 = arith.addi %multiple_of3A_356, %add3A_414 : i32
        %swap3A_416 = arith.index_cast %add3A_415 : i32 to index
        %swap3A_417 = tpu.vector_load %arg18[%swap3A_416] {strides = array<i32>} : memref<2048xf32, #tpu.memory_space<vmem>>, vector<16xf32>,
        tpu.vector_store %arg18[%swap3A_416], %gather3A_392 {strides = array<i32>} : memref<2048xf32, #tpu.memory_space<vmem>>, vector<16xf32>,
        %add3A_418 = arith.constant 96 : i32
        %add3A_419 = arith.addi %multiple_of3A_356, %add3A_418 : i32
        %swap3A_420 = arith.index_cast %add3A_419 : i32 to index
        %swap3A_421 = tpu.vector_load %arg18[%swap3A_420] {strides = array<i32>} : memref<2048xf32, #tpu.memory_space<vmem>>, vector<16xf32>,
        tpu.vector_store %arg18[%swap3A_420], %gather3A_393 {strides = array<i32>} : memref<2048xf32, #tpu.memory_space<vmem>>, vector<16xf32>,
        %add3A_422 = arith.constant 112 : i32
        %add3A_423 = arith.addi %multiple_of3A_356, %add3A_422 : i32
        %swap3A_424 = arith.index_cast %add3A_423 : i32 to index
        %swap3A_425 = tpu.vector_load %arg18[%swap3A_424] {strides = array<i32>} : memref<2048xf32, #tpu.memory_space<vmem>>, vector<16xf32>,
        tpu.vector_store %arg18[%swap3A_424], %gather3A_394 {strides = array<i32>} : memref<2048xf32, #tpu.memory_space<vmem>>, vector<16xf32>,
        %scan3A_426 = arith.constant 0 : i32
        scf.yield %scan3A_426 : i32
      }
      %scan3A_206 = arith.constant 16 : i32
      %mul3A_207 = arith.constant 2048 : i32
      %mul3A_208 = arith.muli %add3A_188, %mul3A_207 : i32
      %add3A_209 = arith.addi %mul3A_2, %mul3A_208 : i32
      %multiple_of3A_210 = tpu.assume_multiple %add3A_209, 2048 : i32
      %dma_start3A_211 = tpu.memref_slice %arg4[%multiple_of3A_210] : memref<8388608xf32, #tpu.memory_space<hbm>> -> memref<2048xf32, #tpu.memory_space<hbm>>
      %dma_start3A_212 = tpu.memref_slice %arg4[%multiple_of3A_210] : memref<8388608xf32, #tpu.memory_space<hbm>> -> memref<2048xf32, #tpu.memory_space<hbm>>
      tpu.enqueue_dma source(%arg18 : memref<2048xf32, #tpu.memory_space<vmem>>) target(%dma_start3A_212 : memref<2048xf32, #tpu.memory_space<hbm>>) target_semaphore(%arg34 : memref<!tpu.dma_semaphore, #tpu.memory_space<semaphore_mem>>)
      %add3A_213 = arith.constant 8 : i32
      %add3A_214 = arith.addi %add3A_188, %add3A_213 : i32
      %lt3A_215 = arith.constant 128 : i32
      %lt3A_216 = arith.cmpi slt, %add3A_214, %lt3A_215 : i32
      %convert_element_type3A_217 = arith.extui %lt3A_216 : i1 to i32
      %cond3A_218 = arith.constant 0 : i32
      %cond3A_219 = arith.cmpi ne, %convert_element_type3A_217, %cond3A_218 : i32
      scf.if %cond3A_219 {
        %add3A_352 = arith.constant 8 : i32
        %add3A_353 = arith.addi %add3A_188, %add3A_352 : i32
        %mul3A_354 = arith.constant 2048 : i32
        %mul3A_355 = arith.muli %add3A_353, %mul3A_354 : i32
        %add3A_356 = arith.addi %mul3A_2, %mul3A_355 : i32
        %multiple_of3A_357 = tpu.assume_multiple %add3A_356, 2048 : i32
        %dma_start3A_358 = tpu.memref_slice %arg3[%multiple_of3A_357] : memref<8388608xi32, #tpu.memory_space<hbm>> -> memref<2048xi32, #tpu.memory_space<hbm>>
        %dma_start3A_359 = tpu.memref_slice %arg3[%multiple_of3A_357] : memref<8388608xi32, #tpu.memory_space<hbm>> -> memref<2048xi32, #tpu.memory_space<hbm>>
        tpu.enqueue_dma source(%dma_start3A_359 : memref<2048xi32, #tpu.memory_space<hbm>>) target(%arg10 : memref<2048xi32, #tpu.memory_space<vmem>>) target_semaphore(%arg26 : memref<!tpu.dma_semaphore, #tpu.memory_space<semaphore_mem>>)
      } else {
      }
      %add3A_220 = arith.constant 4 : i32
      %add3A_221 = arith.addi %add3A_91, %add3A_220 : i32
      %mul3A_222 = arith.constant 2048 : i32
      %mul3A_223 = arith.muli %add3A_221, %mul3A_222 : i32
      %add3A_224 = arith.addi %mul3A_2, %mul3A_223 : i32
      %multiple_of3A_225 = tpu.assume_multiple %add3A_224, 2048 : i32
      %dma_wait3A_226 = tpu.memref_slice %arg3[%multiple_of3A_225] : memref<8388608xi32, #tpu.memory_space<hbm>> -> memref<2048xi32, #tpu.memory_space<hbm>>
      %dma_wait3A_227 = tpu.memref_slice %arg3[%multiple_of3A_225] : memref<8388608xi32, #tpu.memory_space<hbm>> -> memref<2048xi32, #tpu.memory_space<hbm>>
      tpu.wait_dma2 semaphore(%arg27 : memref<!tpu.dma_semaphore, #tpu.memory_space<semaphore_mem>>) src(%dma_wait3A_227 : memref<2048xi32, #tpu.memory_space<hbm>>) dst(%arg11 : memref<2048xi32, #tpu.memory_space<vmem>>)
      %ge3A_228 = arith.constant 8 : i32
      %ge3A_229 = arith.cmpi sge, %add3A_221, %ge3A_228 : i32
      %convert_element_type3A_230 = arith.extui %ge3A_229 : i1 to i32
      %cond3A_231 = arith.constant 0 : i32
      %cond3A_232 = arith.cmpi ne, %convert_element_type3A_230, %cond3A_231 : i32
      scf.if %cond3A_232 {
        %sub3A = arith.constant 8 : i32
        %sub3A_352 = arith.subi %add3A_221, %sub3A : i32
        %mul3A_353 = arith.constant 2048 : i32
        %mul3A_354 = arith.muli %sub3A_352, %mul3A_353 : i32
        %add3A_355 = arith.addi %mul3A_2, %mul3A_354 : i32
        %multiple_of3A_356 = tpu.assume_multiple %add3A_355, 2048 : i32
        %dma_wait3A_357 = tpu.memref_slice %arg4[%multiple_of3A_356] : memref<8388608xf32, #tpu.memory_space<hbm>> -> memref<2048xf32, #tpu.memory_space<hbm>>
        %dma_wait3A_358 = tpu.memref_slice %arg4[%multiple_of3A_356] : memref<8388608xf32, #tpu.memory_space<hbm>> -> memref<2048xf32, #tpu.memory_space<hbm>>
        tpu.wait_dma2 semaphore(%arg35 : memref<!tpu.dma_semaphore, #tpu.memory_space<semaphore_mem>>) src(%arg19 : memref<2048xf32, #tpu.memory_space<vmem>>) dst(%dma_wait3A_358 : memref<2048xf32, #tpu.memory_space<hbm>>)
      } else {
      }
      %scan3A_233 = arith.constant 0 : i32
      %scan3A_234 = arith.constant 0 : i32
      %scan3A_235 = arith.constant 16 : i32
      %scan3A_236 = arith.addi %scan3A_234, %scan3A_235 : i32
      %scan3A_237 = arith.constant 1 : i32
      %scan3A_238 = scf.for %scan3A_352 = %scan3A_234 to %scan3A_236 step %scan3A_237 iter_args(%scan3A_353 = %scan3A_233) -> (i32)  : i32 {
        %mul3A_354 = arith.constant 128 : i32
        %mul3A_355 = arith.muli %scan3A_352, %mul3A_354 : i32
        %multiple_of3A_356 = tpu.assume_multiple %mul3A_355, 128 : i32
        %add3A_357 = arith.constant 0 : i32
        %add3A_358 = arith.addi %multiple_of3A_356, %add3A_357 : i32
        %get3A = arith.index_cast %add3A_358 : i32 to index
        %get3A_359 = tpu.vector_load %arg11[%get3A] {strides = array<i32>} : memref<2048xi32, #tpu.memory_space<vmem>>, vector<16xi32>,
        %add3A_360 = arith.constant 16 : i32
        %add3A_361 = arith.addi %multiple_of3A_356, %add3A_360 : i32
        %get3A_362 = arith.index_cast %add3A_361 : i32 to index
        %get3A_363 = tpu.vector_load %arg11[%get3A_362] {strides = array<i32>} : memref<2048xi32, #tpu.memory_space<vmem>>, vector<16xi32>,
        %add3A_364 = arith.constant 32 : i32
        %add3A_365 = arith.addi %multiple_of3A_356, %add3A_364 : i32
        %get3A_366 = arith.index_cast %add3A_365 : i32 to index
        %get3A_367 = tpu.vector_load %arg11[%get3A_366] {strides = array<i32>} : memref<2048xi32, #tpu.memory_space<vmem>>, vector<16xi32>,
        %add3A_368 = arith.constant 48 : i32
        %add3A_369 = arith.addi %multiple_of3A_356, %add3A_368 : i32
        %get3A_370 = arith.index_cast %add3A_369 : i32 to index
        %get3A_371 = tpu.vector_load %arg11[%get3A_370] {strides = array<i32>} : memref<2048xi32, #tpu.memory_space<vmem>>, vector<16xi32>,
        %add3A_372 = arith.constant 64 : i32
        %add3A_373 = arith.addi %multiple_of3A_356, %add3A_372 : i32
        %get3A_374 = arith.index_cast %add3A_373 : i32 to index
        %get3A_375 = tpu.vector_load %arg11[%get3A_374] {strides = array<i32>} : memref<2048xi32, #tpu.memory_space<vmem>>, vector<16xi32>,
        %add3A_376 = arith.constant 80 : i32
        %add3A_377 = arith.addi %multiple_of3A_356, %add3A_376 : i32
        %get3A_378 = arith.index_cast %add3A_377 : i32 to index
        %get3A_379 = tpu.vector_load %arg11[%get3A_378] {strides = array<i32>} : memref<2048xi32, #tpu.memory_space<vmem>>, vector<16xi32>,
        %add3A_380 = arith.constant 96 : i32
        %add3A_381 = arith.addi %multiple_of3A_356, %add3A_380 : i32
        %get3A_382 = arith.index_cast %add3A_381 : i32 to index
        %get3A_383 = tpu.vector_load %arg11[%get3A_382] {strides = array<i32>} : memref<2048xi32, #tpu.memory_space<vmem>>, vector<16xi32>,
        %add3A_384 = arith.constant 112 : i32
        %add3A_385 = arith.addi %multiple_of3A_356, %add3A_384 : i32
        %get3A_386 = arith.index_cast %add3A_385 : i32 to index
        %get3A_387 = tpu.vector_load %arg11[%get3A_386] {strides = array<i32>} : memref<2048xi32, #tpu.memory_space<vmem>>, vector<16xi32>,
        %gather3A = tpu.vector_load_idx %arg5[%get3A_359] : memref<65536xf32, #tpu.memory_space<vmem>>[vector<16xi32>], vector<16xf32>,
        %gather3A_388 = tpu.vector_load_idx %arg5[%get3A_363] : memref<65536xf32, #tpu.memory_space<vmem>>[vector<16xi32>], vector<16xf32>,
        %gather3A_389 = tpu.vector_load_idx %arg5[%get3A_367] : memref<65536xf32, #tpu.memory_space<vmem>>[vector<16xi32>], vector<16xf32>,
        %gather3A_390 = tpu.vector_load_idx %arg5[%get3A_371] : memref<65536xf32, #tpu.memory_space<vmem>>[vector<16xi32>], vector<16xf32>,
        %gather3A_391 = tpu.vector_load_idx %arg5[%get3A_375] : memref<65536xf32, #tpu.memory_space<vmem>>[vector<16xi32>], vector<16xf32>,
        %gather3A_392 = tpu.vector_load_idx %arg5[%get3A_379] : memref<65536xf32, #tpu.memory_space<vmem>>[vector<16xi32>], vector<16xf32>,
        %gather3A_393 = tpu.vector_load_idx %arg5[%get3A_383] : memref<65536xf32, #tpu.memory_space<vmem>>[vector<16xi32>], vector<16xf32>,
        %gather3A_394 = tpu.vector_load_idx %arg5[%get3A_387] : memref<65536xf32, #tpu.memory_space<vmem>>[vector<16xi32>], vector<16xf32>,
        %add3A_395 = arith.constant 0 : i32
        %add3A_396 = arith.addi %multiple_of3A_356, %add3A_395 : i32
        %swap3A = arith.index_cast %add3A_396 : i32 to index
        %swap3A_397 = tpu.vector_load %arg19[%swap3A] {strides = array<i32>} : memref<2048xf32, #tpu.memory_space<vmem>>, vector<16xf32>,
        tpu.vector_store %arg19[%swap3A], %gather3A {strides = array<i32>} : memref<2048xf32, #tpu.memory_space<vmem>>, vector<16xf32>,
        %add3A_398 = arith.constant 16 : i32
        %add3A_399 = arith.addi %multiple_of3A_356, %add3A_398 : i32
        %swap3A_400 = arith.index_cast %add3A_399 : i32 to index
        %swap3A_401 = tpu.vector_load %arg19[%swap3A_400] {strides = array<i32>} : memref<2048xf32, #tpu.memory_space<vmem>>, vector<16xf32>,
        tpu.vector_store %arg19[%swap3A_400], %gather3A_388 {strides = array<i32>} : memref<2048xf32, #tpu.memory_space<vmem>>, vector<16xf32>,
        %add3A_402 = arith.constant 32 : i32
        %add3A_403 = arith.addi %multiple_of3A_356, %add3A_402 : i32
        %swap3A_404 = arith.index_cast %add3A_403 : i32 to index
        %swap3A_405 = tpu.vector_load %arg19[%swap3A_404] {strides = array<i32>} : memref<2048xf32, #tpu.memory_space<vmem>>, vector<16xf32>,
        tpu.vector_store %arg19[%swap3A_404], %gather3A_389 {strides = array<i32>} : memref<2048xf32, #tpu.memory_space<vmem>>, vector<16xf32>,
        %add3A_406 = arith.constant 48 : i32
        %add3A_407 = arith.addi %multiple_of3A_356, %add3A_406 : i32
        %swap3A_408 = arith.index_cast %add3A_407 : i32 to index
        %swap3A_409 = tpu.vector_load %arg19[%swap3A_408] {strides = array<i32>} : memref<2048xf32, #tpu.memory_space<vmem>>, vector<16xf32>,
        tpu.vector_store %arg19[%swap3A_408], %gather3A_390 {strides = array<i32>} : memref<2048xf32, #tpu.memory_space<vmem>>, vector<16xf32>,
        %add3A_410 = arith.constant 64 : i32
        %add3A_411 = arith.addi %multiple_of3A_356, %add3A_410 : i32
        %swap3A_412 = arith.index_cast %add3A_411 : i32 to index
        %swap3A_413 = tpu.vector_load %arg19[%swap3A_412] {strides = array<i32>} : memref<2048xf32, #tpu.memory_space<vmem>>, vector<16xf32>,
        tpu.vector_store %arg19[%swap3A_412], %gather3A_391 {strides = array<i32>} : memref<2048xf32, #tpu.memory_space<vmem>>, vector<16xf32>,
        %add3A_414 = arith.constant 80 : i32
        %add3A_415 = arith.addi %multiple_of3A_356, %add3A_414 : i32
        %swap3A_416 = arith.index_cast %add3A_415 : i32 to index
        %swap3A_417 = tpu.vector_load %arg19[%swap3A_416] {strides = array<i32>} : memref<2048xf32, #tpu.memory_space<vmem>>, vector<16xf32>,
        tpu.vector_store %arg19[%swap3A_416], %gather3A_392 {strides = array<i32>} : memref<2048xf32, #tpu.memory_space<vmem>>, vector<16xf32>,
        %add3A_418 = arith.constant 96 : i32
        %add3A_419 = arith.addi %multiple_of3A_356, %add3A_418 : i32
        %swap3A_420 = arith.index_cast %add3A_419 : i32 to index
        %swap3A_421 = tpu.vector_load %arg19[%swap3A_420] {strides = array<i32>} : memref<2048xf32, #tpu.memory_space<vmem>>, vector<16xf32>,
        tpu.vector_store %arg19[%swap3A_420], %gather3A_393 {strides = array<i32>} : memref<2048xf32, #tpu.memory_space<vmem>>, vector<16xf32>,
        %add3A_422 = arith.constant 112 : i32
        %add3A_423 = arith.addi %multiple_of3A_356, %add3A_422 : i32
        %swap3A_424 = arith.index_cast %add3A_423 : i32 to index
        %swap3A_425 = tpu.vector_load %arg19[%swap3A_424] {strides = array<i32>} : memref<2048xf32, #tpu.memory_space<vmem>>, vector<16xf32>,
        tpu.vector_store %arg19[%swap3A_424], %gather3A_394 {strides = array<i32>} : memref<2048xf32, #tpu.memory_space<vmem>>, vector<16xf32>,
        %scan3A_426 = arith.constant 0 : i32
        scf.yield %scan3A_426 : i32
      }
      %scan3A_239 = arith.constant 16 : i32
      %mul3A_240 = arith.constant 2048 : i32
      %mul3A_241 = arith.muli %add3A_221, %mul3A_240 : i32
      %add3A_242 = arith.addi %mul3A_2, %mul3A_241 : i32
      %multiple_of3A_243 = tpu.assume_multiple %add3A_242, 2048 : i32
      %dma_start3A_244 = tpu.memref_slice %arg4[%multiple_of3A_243] : memref<8388608xf32, #tpu.memory_space<hbm>> -> memref<2048xf32, #tpu.memory_space<hbm>>
      %dma_start3A_245 = tpu.memref_slice %arg4[%multiple_of3A_243] : memref<8388608xf32, #tpu.memory_space<hbm>> -> memref<2048xf32, #tpu.memory_space<hbm>>
      tpu.enqueue_dma source(%arg19 : memref<2048xf32, #tpu.memory_space<vmem>>) target(%dma_start3A_245 : memref<2048xf32, #tpu.memory_space<hbm>>) target_semaphore(%arg35 : memref<!tpu.dma_semaphore, #tpu.memory_space<semaphore_mem>>)
      %add3A_246 = arith.constant 8 : i32
      %add3A_247 = arith.addi %add3A_221, %add3A_246 : i32
      %lt3A_248 = arith.constant 128 : i32
      %lt3A_249 = arith.cmpi slt, %add3A_247, %lt3A_248 : i32
      %convert_element_type3A_250 = arith.extui %lt3A_249 : i1 to i32
      %cond3A_251 = arith.constant 0 : i32
      %cond3A_252 = arith.cmpi ne, %convert_element_type3A_250, %cond3A_251 : i32
      scf.if %cond3A_252 {
        %add3A_352 = arith.constant 8 : i32
        %add3A_353 = arith.addi %add3A_221, %add3A_352 : i32
        %mul3A_354 = arith.constant 2048 : i32
        %mul3A_355 = arith.muli %add3A_353, %mul3A_354 : i32
        %add3A_356 = arith.addi %mul3A_2, %mul3A_355 : i32
        %multiple_of3A_357 = tpu.assume_multiple %add3A_356, 2048 : i32
        %dma_start3A_358 = tpu.memref_slice %arg3[%multiple_of3A_357] : memref<8388608xi32, #tpu.memory_space<hbm>> -> memref<2048xi32, #tpu.memory_space<hbm>>
        %dma_start3A_359 = tpu.memref_slice %arg3[%multiple_of3A_357] : memref<8388608xi32, #tpu.memory_space<hbm>> -> memref<2048xi32, #tpu.memory_space<hbm>>
        tpu.enqueue_dma source(%dma_start3A_359 : memref<2048xi32, #tpu.memory_space<hbm>>) target(%arg11 : memref<2048xi32, #tpu.memory_space<vmem>>) target_semaphore(%arg27 : memref<!tpu.dma_semaphore, #tpu.memory_space<semaphore_mem>>)
      } else {
      }
      %add3A_253 = arith.constant 5 : i32
      %add3A_254 = arith.addi %add3A_91, %add3A_253 : i32
      %mul3A_255 = arith.constant 2048 : i32
      %mul3A_256 = arith.muli %add3A_254, %mul3A_255 : i32
      %add3A_257 = arith.addi %mul3A_2, %mul3A_256 : i32
      %multiple_of3A_258 = tpu.assume_multiple %add3A_257, 2048 : i32
      %dma_wait3A_259 = tpu.memref_slice %arg3[%multiple_of3A_258] : memref<8388608xi32, #tpu.memory_space<hbm>> -> memref<2048xi32, #tpu.memory_space<hbm>>
      %dma_wait3A_260 = tpu.memref_slice %arg3[%multiple_of3A_258] : memref<8388608xi32, #tpu.memory_space<hbm>> -> memref<2048xi32, #tpu.memory_space<hbm>>
      tpu.wait_dma2 semaphore(%arg28 : memref<!tpu.dma_semaphore, #tpu.memory_space<semaphore_mem>>) src(%dma_wait3A_260 : memref<2048xi32, #tpu.memory_space<hbm>>) dst(%arg12 : memref<2048xi32, #tpu.memory_space<vmem>>)
      %ge3A_261 = arith.constant 8 : i32
      %ge3A_262 = arith.cmpi sge, %add3A_254, %ge3A_261 : i32
      %convert_element_type3A_263 = arith.extui %ge3A_262 : i1 to i32
      %cond3A_264 = arith.constant 0 : i32
      %cond3A_265 = arith.cmpi ne, %convert_element_type3A_263, %cond3A_264 : i32
      scf.if %cond3A_265 {
        %sub3A = arith.constant 8 : i32
        %sub3A_352 = arith.subi %add3A_254, %sub3A : i32
        %mul3A_353 = arith.constant 2048 : i32
        %mul3A_354 = arith.muli %sub3A_352, %mul3A_353 : i32
        %add3A_355 = arith.addi %mul3A_2, %mul3A_354 : i32
        %multiple_of3A_356 = tpu.assume_multiple %add3A_355, 2048 : i32
        %dma_wait3A_357 = tpu.memref_slice %arg4[%multiple_of3A_356] : memref<8388608xf32, #tpu.memory_space<hbm>> -> memref<2048xf32, #tpu.memory_space<hbm>>
        %dma_wait3A_358 = tpu.memref_slice %arg4[%multiple_of3A_356] : memref<8388608xf32, #tpu.memory_space<hbm>> -> memref<2048xf32, #tpu.memory_space<hbm>>
        tpu.wait_dma2 semaphore(%arg36 : memref<!tpu.dma_semaphore, #tpu.memory_space<semaphore_mem>>) src(%arg20 : memref<2048xf32, #tpu.memory_space<vmem>>) dst(%dma_wait3A_358 : memref<2048xf32, #tpu.memory_space<hbm>>)
      } else {
      }
      %scan3A_266 = arith.constant 0 : i32
      %scan3A_267 = arith.constant 0 : i32
      %scan3A_268 = arith.constant 16 : i32
      %scan3A_269 = arith.addi %scan3A_267, %scan3A_268 : i32
      %scan3A_270 = arith.constant 1 : i32
      %scan3A_271 = scf.for %scan3A_352 = %scan3A_267 to %scan3A_269 step %scan3A_270 iter_args(%scan3A_353 = %scan3A_266) -> (i32)  : i32 {
        %mul3A_354 = arith.constant 128 : i32
        %mul3A_355 = arith.muli %scan3A_352, %mul3A_354 : i32
        %multiple_of3A_356 = tpu.assume_multiple %mul3A_355, 128 : i32
        %add3A_357 = arith.constant 0 : i32
        %add3A_358 = arith.addi %multiple_of3A_356, %add3A_357 : i32
        %get3A = arith.index_cast %add3A_358 : i32 to index
        %get3A_359 = tpu.vector_load %arg12[%get3A] {strides = array<i32>} : memref<2048xi32, #tpu.memory_space<vmem>>, vector<16xi32>,
        %add3A_360 = arith.constant 16 : i32
        %add3A_361 = arith.addi %multiple_of3A_356, %add3A_360 : i32
        %get3A_362 = arith.index_cast %add3A_361 : i32 to index
        %get3A_363 = tpu.vector_load %arg12[%get3A_362] {strides = array<i32>} : memref<2048xi32, #tpu.memory_space<vmem>>, vector<16xi32>,
        %add3A_364 = arith.constant 32 : i32
        %add3A_365 = arith.addi %multiple_of3A_356, %add3A_364 : i32
        %get3A_366 = arith.index_cast %add3A_365 : i32 to index
        %get3A_367 = tpu.vector_load %arg12[%get3A_366] {strides = array<i32>} : memref<2048xi32, #tpu.memory_space<vmem>>, vector<16xi32>,
        %add3A_368 = arith.constant 48 : i32
        %add3A_369 = arith.addi %multiple_of3A_356, %add3A_368 : i32
        %get3A_370 = arith.index_cast %add3A_369 : i32 to index
        %get3A_371 = tpu.vector_load %arg12[%get3A_370] {strides = array<i32>} : memref<2048xi32, #tpu.memory_space<vmem>>, vector<16xi32>,
        %add3A_372 = arith.constant 64 : i32
        %add3A_373 = arith.addi %multiple_of3A_356, %add3A_372 : i32
        %get3A_374 = arith.index_cast %add3A_373 : i32 to index
        %get3A_375 = tpu.vector_load %arg12[%get3A_374] {strides = array<i32>} : memref<2048xi32, #tpu.memory_space<vmem>>, vector<16xi32>,
        %add3A_376 = arith.constant 80 : i32
        %add3A_377 = arith.addi %multiple_of3A_356, %add3A_376 : i32
        %get3A_378 = arith.index_cast %add3A_377 : i32 to index
        %get3A_379 = tpu.vector_load %arg12[%get3A_378] {strides = array<i32>} : memref<2048xi32, #tpu.memory_space<vmem>>, vector<16xi32>,
        %add3A_380 = arith.constant 96 : i32
        %add3A_381 = arith.addi %multiple_of3A_356, %add3A_380 : i32
        %get3A_382 = arith.index_cast %add3A_381 : i32 to index
        %get3A_383 = tpu.vector_load %arg12[%get3A_382] {strides = array<i32>} : memref<2048xi32, #tpu.memory_space<vmem>>, vector<16xi32>,
        %add3A_384 = arith.constant 112 : i32
        %add3A_385 = arith.addi %multiple_of3A_356, %add3A_384 : i32
        %get3A_386 = arith.index_cast %add3A_385 : i32 to index
        %get3A_387 = tpu.vector_load %arg12[%get3A_386] {strides = array<i32>} : memref<2048xi32, #tpu.memory_space<vmem>>, vector<16xi32>,
        %gather3A = tpu.vector_load_idx %arg5[%get3A_359] : memref<65536xf32, #tpu.memory_space<vmem>>[vector<16xi32>], vector<16xf32>,
        %gather3A_388 = tpu.vector_load_idx %arg5[%get3A_363] : memref<65536xf32, #tpu.memory_space<vmem>>[vector<16xi32>], vector<16xf32>,
        %gather3A_389 = tpu.vector_load_idx %arg5[%get3A_367] : memref<65536xf32, #tpu.memory_space<vmem>>[vector<16xi32>], vector<16xf32>,
        %gather3A_390 = tpu.vector_load_idx %arg5[%get3A_371] : memref<65536xf32, #tpu.memory_space<vmem>>[vector<16xi32>], vector<16xf32>,
        %gather3A_391 = tpu.vector_load_idx %arg5[%get3A_375] : memref<65536xf32, #tpu.memory_space<vmem>>[vector<16xi32>], vector<16xf32>,
        %gather3A_392 = tpu.vector_load_idx %arg5[%get3A_379] : memref<65536xf32, #tpu.memory_space<vmem>>[vector<16xi32>], vector<16xf32>,
        %gather3A_393 = tpu.vector_load_idx %arg5[%get3A_383] : memref<65536xf32, #tpu.memory_space<vmem>>[vector<16xi32>], vector<16xf32>,
        %gather3A_394 = tpu.vector_load_idx %arg5[%get3A_387] : memref<65536xf32, #tpu.memory_space<vmem>>[vector<16xi32>], vector<16xf32>,
        %add3A_395 = arith.constant 0 : i32
        %add3A_396 = arith.addi %multiple_of3A_356, %add3A_395 : i32
        %swap3A = arith.index_cast %add3A_396 : i32 to index
        %swap3A_397 = tpu.vector_load %arg20[%swap3A] {strides = array<i32>} : memref<2048xf32, #tpu.memory_space<vmem>>, vector<16xf32>,
        tpu.vector_store %arg20[%swap3A], %gather3A {strides = array<i32>} : memref<2048xf32, #tpu.memory_space<vmem>>, vector<16xf32>,
        %add3A_398 = arith.constant 16 : i32
        %add3A_399 = arith.addi %multiple_of3A_356, %add3A_398 : i32
        %swap3A_400 = arith.index_cast %add3A_399 : i32 to index
        %swap3A_401 = tpu.vector_load %arg20[%swap3A_400] {strides = array<i32>} : memref<2048xf32, #tpu.memory_space<vmem>>, vector<16xf32>,
        tpu.vector_store %arg20[%swap3A_400], %gather3A_388 {strides = array<i32>} : memref<2048xf32, #tpu.memory_space<vmem>>, vector<16xf32>,
        %add3A_402 = arith.constant 32 : i32
        %add3A_403 = arith.addi %multiple_of3A_356, %add3A_402 : i32
        %swap3A_404 = arith.index_cast %add3A_403 : i32 to index
        %swap3A_405 = tpu.vector_load %arg20[%swap3A_404] {strides = array<i32>} : memref<2048xf32, #tpu.memory_space<vmem>>, vector<16xf32>,
        tpu.vector_store %arg20[%swap3A_404], %gather3A_389 {strides = array<i32>} : memref<2048xf32, #tpu.memory_space<vmem>>, vector<16xf32>,
        %add3A_406 = arith.constant 48 : i32
        %add3A_407 = arith.addi %multiple_of3A_356, %add3A_406 : i32
        %swap3A_408 = arith.index_cast %add3A_407 : i32 to index
        %swap3A_409 = tpu.vector_load %arg20[%swap3A_408] {strides = array<i32>} : memref<2048xf32, #tpu.memory_space<vmem>>, vector<16xf32>,
        tpu.vector_store %arg20[%swap3A_408], %gather3A_390 {strides = array<i32>} : memref<2048xf32, #tpu.memory_space<vmem>>, vector<16xf32>,
        %add3A_410 = arith.constant 64 : i32
        %add3A_411 = arith.addi %multiple_of3A_356, %add3A_410 : i32
        %swap3A_412 = arith.index_cast %add3A_411 : i32 to index
        %swap3A_413 = tpu.vector_load %arg20[%swap3A_412] {strides = array<i32>} : memref<2048xf32, #tpu.memory_space<vmem>>, vector<16xf32>,
        tpu.vector_store %arg20[%swap3A_412], %gather3A_391 {strides = array<i32>} : memref<2048xf32, #tpu.memory_space<vmem>>, vector<16xf32>,
        %add3A_414 = arith.constant 80 : i32
        %add3A_415 = arith.addi %multiple_of3A_356, %add3A_414 : i32
        %swap3A_416 = arith.index_cast %add3A_415 : i32 to index
        %swap3A_417 = tpu.vector_load %arg20[%swap3A_416] {strides = array<i32>} : memref<2048xf32, #tpu.memory_space<vmem>>, vector<16xf32>,
        tpu.vector_store %arg20[%swap3A_416], %gather3A_392 {strides = array<i32>} : memref<2048xf32, #tpu.memory_space<vmem>>, vector<16xf32>,
        %add3A_418 = arith.constant 96 : i32
        %add3A_419 = arith.addi %multiple_of3A_356, %add3A_418 : i32
        %swap3A_420 = arith.index_cast %add3A_419 : i32 to index
        %swap3A_421 = tpu.vector_load %arg20[%swap3A_420] {strides = array<i32>} : memref<2048xf32, #tpu.memory_space<vmem>>, vector<16xf32>,
        tpu.vector_store %arg20[%swap3A_420], %gather3A_393 {strides = array<i32>} : memref<2048xf32, #tpu.memory_space<vmem>>, vector<16xf32>,
        %add3A_422 = arith.constant 112 : i32
        %add3A_423 = arith.addi %multiple_of3A_356, %add3A_422 : i32
        %swap3A_424 = arith.index_cast %add3A_423 : i32 to index
        %swap3A_425 = tpu.vector_load %arg20[%swap3A_424] {strides = array<i32>} : memref<2048xf32, #tpu.memory_space<vmem>>, vector<16xf32>,
        tpu.vector_store %arg20[%swap3A_424], %gather3A_394 {strides = array<i32>} : memref<2048xf32, #tpu.memory_space<vmem>>, vector<16xf32>,
        %scan3A_426 = arith.constant 0 : i32
        scf.yield %scan3A_426 : i32
      }
      %scan3A_272 = arith.constant 16 : i32
      %mul3A_273 = arith.constant 2048 : i32
      %mul3A_274 = arith.muli %add3A_254, %mul3A_273 : i32
      %add3A_275 = arith.addi %mul3A_2, %mul3A_274 : i32
      %multiple_of3A_276 = tpu.assume_multiple %add3A_275, 2048 : i32
      %dma_start3A_277 = tpu.memref_slice %arg4[%multiple_of3A_276] : memref<8388608xf32, #tpu.memory_space<hbm>> -> memref<2048xf32, #tpu.memory_space<hbm>>
      %dma_start3A_278 = tpu.memref_slice %arg4[%multiple_of3A_276] : memref<8388608xf32, #tpu.memory_space<hbm>> -> memref<2048xf32, #tpu.memory_space<hbm>>
      tpu.enqueue_dma source(%arg20 : memref<2048xf32, #tpu.memory_space<vmem>>) target(%dma_start3A_278 : memref<2048xf32, #tpu.memory_space<hbm>>) target_semaphore(%arg36 : memref<!tpu.dma_semaphore, #tpu.memory_space<semaphore_mem>>)
      %add3A_279 = arith.constant 8 : i32
      %add3A_280 = arith.addi %add3A_254, %add3A_279 : i32
      %lt3A_281 = arith.constant 128 : i32
      %lt3A_282 = arith.cmpi slt, %add3A_280, %lt3A_281 : i32
      %convert_element_type3A_283 = arith.extui %lt3A_282 : i1 to i32
      %cond3A_284 = arith.constant 0 : i32
      %cond3A_285 = arith.cmpi ne, %convert_element_type3A_283, %cond3A_284 : i32
      scf.if %cond3A_285 {
        %add3A_352 = arith.constant 8 : i32
        %add3A_353 = arith.addi %add3A_254, %add3A_352 : i32
        %mul3A_354 = arith.constant 2048 : i32
        %mul3A_355 = arith.muli %add3A_353, %mul3A_354 : i32
        %add3A_356 = arith.addi %mul3A_2, %mul3A_355 : i32
        %multiple_of3A_357 = tpu.assume_multiple %add3A_356, 2048 : i32
        %dma_start3A_358 = tpu.memref_slice %arg3[%multiple_of3A_357] : memref<8388608xi32, #tpu.memory_space<hbm>> -> memref<2048xi32, #tpu.memory_space<hbm>>
        %dma_start3A_359 = tpu.memref_slice %arg3[%multiple_of3A_357] : memref<8388608xi32, #tpu.memory_space<hbm>> -> memref<2048xi32, #tpu.memory_space<hbm>>
        tpu.enqueue_dma source(%dma_start3A_359 : memref<2048xi32, #tpu.memory_space<hbm>>) target(%arg12 : memref<2048xi32, #tpu.memory_space<vmem>>) target_semaphore(%arg28 : memref<!tpu.dma_semaphore, #tpu.memory_space<semaphore_mem>>)
      } else {
      }
      %add3A_286 = arith.constant 6 : i32
      %add3A_287 = arith.addi %add3A_91, %add3A_286 : i32
      %mul3A_288 = arith.constant 2048 : i32
      %mul3A_289 = arith.muli %add3A_287, %mul3A_288 : i32
      %add3A_290 = arith.addi %mul3A_2, %mul3A_289 : i32
      %multiple_of3A_291 = tpu.assume_multiple %add3A_290, 2048 : i32
      %dma_wait3A_292 = tpu.memref_slice %arg3[%multiple_of3A_291] : memref<8388608xi32, #tpu.memory_space<hbm>> -> memref<2048xi32, #tpu.memory_space<hbm>>
      %dma_wait3A_293 = tpu.memref_slice %arg3[%multiple_of3A_291] : memref<8388608xi32, #tpu.memory_space<hbm>> -> memref<2048xi32, #tpu.memory_space<hbm>>
      tpu.wait_dma2 semaphore(%arg29 : memref<!tpu.dma_semaphore, #tpu.memory_space<semaphore_mem>>) src(%dma_wait3A_293 : memref<2048xi32, #tpu.memory_space<hbm>>) dst(%arg13 : memref<2048xi32, #tpu.memory_space<vmem>>)
      %ge3A_294 = arith.constant 8 : i32
      %ge3A_295 = arith.cmpi sge, %add3A_287, %ge3A_294 : i32
      %convert_element_type3A_296 = arith.extui %ge3A_295 : i1 to i32
      %cond3A_297 = arith.constant 0 : i32
      %cond3A_298 = arith.cmpi ne, %convert_element_type3A_296, %cond3A_297 : i32
      scf.if %cond3A_298 {
        %sub3A = arith.constant 8 : i32
        %sub3A_352 = arith.subi %add3A_287, %sub3A : i32
        %mul3A_353 = arith.constant 2048 : i32
        %mul3A_354 = arith.muli %sub3A_352, %mul3A_353 : i32
        %add3A_355 = arith.addi %mul3A_2, %mul3A_354 : i32
        %multiple_of3A_356 = tpu.assume_multiple %add3A_355, 2048 : i32
        %dma_wait3A_357 = tpu.memref_slice %arg4[%multiple_of3A_356] : memref<8388608xf32, #tpu.memory_space<hbm>> -> memref<2048xf32, #tpu.memory_space<hbm>>
        %dma_wait3A_358 = tpu.memref_slice %arg4[%multiple_of3A_356] : memref<8388608xf32, #tpu.memory_space<hbm>> -> memref<2048xf32, #tpu.memory_space<hbm>>
        tpu.wait_dma2 semaphore(%arg37 : memref<!tpu.dma_semaphore, #tpu.memory_space<semaphore_mem>>) src(%arg21 : memref<2048xf32, #tpu.memory_space<vmem>>) dst(%dma_wait3A_358 : memref<2048xf32, #tpu.memory_space<hbm>>)
      } else {
      }
      %scan3A_299 = arith.constant 0 : i32
      %scan3A_300 = arith.constant 0 : i32
      %scan3A_301 = arith.constant 16 : i32
      %scan3A_302 = arith.addi %scan3A_300, %scan3A_301 : i32
      %scan3A_303 = arith.constant 1 : i32
      %scan3A_304 = scf.for %scan3A_352 = %scan3A_300 to %scan3A_302 step %scan3A_303 iter_args(%scan3A_353 = %scan3A_299) -> (i32)  : i32 {
        %mul3A_354 = arith.constant 128 : i32
        %mul3A_355 = arith.muli %scan3A_352, %mul3A_354 : i32
        %multiple_of3A_356 = tpu.assume_multiple %mul3A_355, 128 : i32
        %add3A_357 = arith.constant 0 : i32
        %add3A_358 = arith.addi %multiple_of3A_356, %add3A_357 : i32
        %get3A = arith.index_cast %add3A_358 : i32 to index
        %get3A_359 = tpu.vector_load %arg13[%get3A] {strides = array<i32>} : memref<2048xi32, #tpu.memory_space<vmem>>, vector<16xi32>,
        %add3A_360 = arith.constant 16 : i32
        %add3A_361 = arith.addi %multiple_of3A_356, %add3A_360 : i32
        %get3A_362 = arith.index_cast %add3A_361 : i32 to index
        %get3A_363 = tpu.vector_load %arg13[%get3A_362] {strides = array<i32>} : memref<2048xi32, #tpu.memory_space<vmem>>, vector<16xi32>,
        %add3A_364 = arith.constant 32 : i32
        %add3A_365 = arith.addi %multiple_of3A_356, %add3A_364 : i32
        %get3A_366 = arith.index_cast %add3A_365 : i32 to index
        %get3A_367 = tpu.vector_load %arg13[%get3A_366] {strides = array<i32>} : memref<2048xi32, #tpu.memory_space<vmem>>, vector<16xi32>,
        %add3A_368 = arith.constant 48 : i32
        %add3A_369 = arith.addi %multiple_of3A_356, %add3A_368 : i32
        %get3A_370 = arith.index_cast %add3A_369 : i32 to index
        %get3A_371 = tpu.vector_load %arg13[%get3A_370] {strides = array<i32>} : memref<2048xi32, #tpu.memory_space<vmem>>, vector<16xi32>,
        %add3A_372 = arith.constant 64 : i32
        %add3A_373 = arith.addi %multiple_of3A_356, %add3A_372 : i32
        %get3A_374 = arith.index_cast %add3A_373 : i32 to index
        %get3A_375 = tpu.vector_load %arg13[%get3A_374] {strides = array<i32>} : memref<2048xi32, #tpu.memory_space<vmem>>, vector<16xi32>,
        %add3A_376 = arith.constant 80 : i32
        %add3A_377 = arith.addi %multiple_of3A_356, %add3A_376 : i32
        %get3A_378 = arith.index_cast %add3A_377 : i32 to index
        %get3A_379 = tpu.vector_load %arg13[%get3A_378] {strides = array<i32>} : memref<2048xi32, #tpu.memory_space<vmem>>, vector<16xi32>,
        %add3A_380 = arith.constant 96 : i32
        %add3A_381 = arith.addi %multiple_of3A_356, %add3A_380 : i32
        %get3A_382 = arith.index_cast %add3A_381 : i32 to index
        %get3A_383 = tpu.vector_load %arg13[%get3A_382] {strides = array<i32>} : memref<2048xi32, #tpu.memory_space<vmem>>, vector<16xi32>,
        %add3A_384 = arith.constant 112 : i32
        %add3A_385 = arith.addi %multiple_of3A_356, %add3A_384 : i32
        %get3A_386 = arith.index_cast %add3A_385 : i32 to index
        %get3A_387 = tpu.vector_load %arg13[%get3A_386] {strides = array<i32>} : memref<2048xi32, #tpu.memory_space<vmem>>, vector<16xi32>,
        %gather3A = tpu.vector_load_idx %arg5[%get3A_359] : memref<65536xf32, #tpu.memory_space<vmem>>[vector<16xi32>], vector<16xf32>,
        %gather3A_388 = tpu.vector_load_idx %arg5[%get3A_363] : memref<65536xf32, #tpu.memory_space<vmem>>[vector<16xi32>], vector<16xf32>,
        %gather3A_389 = tpu.vector_load_idx %arg5[%get3A_367] : memref<65536xf32, #tpu.memory_space<vmem>>[vector<16xi32>], vector<16xf32>,
        %gather3A_390 = tpu.vector_load_idx %arg5[%get3A_371] : memref<65536xf32, #tpu.memory_space<vmem>>[vector<16xi32>], vector<16xf32>,
        %gather3A_391 = tpu.vector_load_idx %arg5[%get3A_375] : memref<65536xf32, #tpu.memory_space<vmem>>[vector<16xi32>], vector<16xf32>,
        %gather3A_392 = tpu.vector_load_idx %arg5[%get3A_379] : memref<65536xf32, #tpu.memory_space<vmem>>[vector<16xi32>], vector<16xf32>,
        %gather3A_393 = tpu.vector_load_idx %arg5[%get3A_383] : memref<65536xf32, #tpu.memory_space<vmem>>[vector<16xi32>], vector<16xf32>,
        %gather3A_394 = tpu.vector_load_idx %arg5[%get3A_387] : memref<65536xf32, #tpu.memory_space<vmem>>[vector<16xi32>], vector<16xf32>,
        %add3A_395 = arith.constant 0 : i32
        %add3A_396 = arith.addi %multiple_of3A_356, %add3A_395 : i32
        %swap3A = arith.index_cast %add3A_396 : i32 to index
        %swap3A_397 = tpu.vector_load %arg21[%swap3A] {strides = array<i32>} : memref<2048xf32, #tpu.memory_space<vmem>>, vector<16xf32>,
        tpu.vector_store %arg21[%swap3A], %gather3A {strides = array<i32>} : memref<2048xf32, #tpu.memory_space<vmem>>, vector<16xf32>,
        %add3A_398 = arith.constant 16 : i32
        %add3A_399 = arith.addi %multiple_of3A_356, %add3A_398 : i32
        %swap3A_400 = arith.index_cast %add3A_399 : i32 to index
        %swap3A_401 = tpu.vector_load %arg21[%swap3A_400] {strides = array<i32>} : memref<2048xf32, #tpu.memory_space<vmem>>, vector<16xf32>,
        tpu.vector_store %arg21[%swap3A_400], %gather3A_388 {strides = array<i32>} : memref<2048xf32, #tpu.memory_space<vmem>>, vector<16xf32>,
        %add3A_402 = arith.constant 32 : i32
        %add3A_403 = arith.addi %multiple_of3A_356, %add3A_402 : i32
        %swap3A_404 = arith.index_cast %add3A_403 : i32 to index
        %swap3A_405 = tpu.vector_load %arg21[%swap3A_404] {strides = array<i32>} : memref<2048xf32, #tpu.memory_space<vmem>>, vector<16xf32>,
        tpu.vector_store %arg21[%swap3A_404], %gather3A_389 {strides = array<i32>} : memref<2048xf32, #tpu.memory_space<vmem>>, vector<16xf32>,
        %add3A_406 = arith.constant 48 : i32
        %add3A_407 = arith.addi %multiple_of3A_356, %add3A_406 : i32
        %swap3A_408 = arith.index_cast %add3A_407 : i32 to index
        %swap3A_409 = tpu.vector_load %arg21[%swap3A_408] {strides = array<i32>} : memref<2048xf32, #tpu.memory_space<vmem>>, vector<16xf32>,
        tpu.vector_store %arg21[%swap3A_408], %gather3A_390 {strides = array<i32>} : memref<2048xf32, #tpu.memory_space<vmem>>, vector<16xf32>,
        %add3A_410 = arith.constant 64 : i32
        %add3A_411 = arith.addi %multiple_of3A_356, %add3A_410 : i32
        %swap3A_412 = arith.index_cast %add3A_411 : i32 to index
        %swap3A_413 = tpu.vector_load %arg21[%swap3A_412] {strides = array<i32>} : memref<2048xf32, #tpu.memory_space<vmem>>, vector<16xf32>,
        tpu.vector_store %arg21[%swap3A_412], %gather3A_391 {strides = array<i32>} : memref<2048xf32, #tpu.memory_space<vmem>>, vector<16xf32>,
        %add3A_414 = arith.constant 80 : i32
        %add3A_415 = arith.addi %multiple_of3A_356, %add3A_414 : i32
        %swap3A_416 = arith.index_cast %add3A_415 : i32 to index
        %swap3A_417 = tpu.vector_load %arg21[%swap3A_416] {strides = array<i32>} : memref<2048xf32, #tpu.memory_space<vmem>>, vector<16xf32>,
        tpu.vector_store %arg21[%swap3A_416], %gather3A_392 {strides = array<i32>} : memref<2048xf32, #tpu.memory_space<vmem>>, vector<16xf32>,
        %add3A_418 = arith.constant 96 : i32
        %add3A_419 = arith.addi %multiple_of3A_356, %add3A_418 : i32
        %swap3A_420 = arith.index_cast %add3A_419 : i32 to index
        %swap3A_421 = tpu.vector_load %arg21[%swap3A_420] {strides = array<i32>} : memref<2048xf32, #tpu.memory_space<vmem>>, vector<16xf32>,
        tpu.vector_store %arg21[%swap3A_420], %gather3A_393 {strides = array<i32>} : memref<2048xf32, #tpu.memory_space<vmem>>, vector<16xf32>,
        %add3A_422 = arith.constant 112 : i32
        %add3A_423 = arith.addi %multiple_of3A_356, %add3A_422 : i32
        %swap3A_424 = arith.index_cast %add3A_423 : i32 to index
        %swap3A_425 = tpu.vector_load %arg21[%swap3A_424] {strides = array<i32>} : memref<2048xf32, #tpu.memory_space<vmem>>, vector<16xf32>,
        tpu.vector_store %arg21[%swap3A_424], %gather3A_394 {strides = array<i32>} : memref<2048xf32, #tpu.memory_space<vmem>>, vector<16xf32>,
        %scan3A_426 = arith.constant 0 : i32
        scf.yield %scan3A_426 : i32
      }
      %scan3A_305 = arith.constant 16 : i32
      %mul3A_306 = arith.constant 2048 : i32
      %mul3A_307 = arith.muli %add3A_287, %mul3A_306 : i32
      %add3A_308 = arith.addi %mul3A_2, %mul3A_307 : i32
      %multiple_of3A_309 = tpu.assume_multiple %add3A_308, 2048 : i32
      %dma_start3A_310 = tpu.memref_slice %arg4[%multiple_of3A_309] : memref<8388608xf32, #tpu.memory_space<hbm>> -> memref<2048xf32, #tpu.memory_space<hbm>>
      %dma_start3A_311 = tpu.memref_slice %arg4[%multiple_of3A_309] : memref<8388608xf32, #tpu.memory_space<hbm>> -> memref<2048xf32, #tpu.memory_space<hbm>>
      tpu.enqueue_dma source(%arg21 : memref<2048xf32, #tpu.memory_space<vmem>>) target(%dma_start3A_311 : memref<2048xf32, #tpu.memory_space<hbm>>) target_semaphore(%arg37 : memref<!tpu.dma_semaphore, #tpu.memory_space<semaphore_mem>>)
      %add3A_312 = arith.constant 8 : i32
      %add3A_313 = arith.addi %add3A_287, %add3A_312 : i32
      %lt3A_314 = arith.constant 128 : i32
      %lt3A_315 = arith.cmpi slt, %add3A_313, %lt3A_314 : i32
      %convert_element_type3A_316 = arith.extui %lt3A_315 : i1 to i32
      %cond3A_317 = arith.constant 0 : i32
      %cond3A_318 = arith.cmpi ne, %convert_element_type3A_316, %cond3A_317 : i32
      scf.if %cond3A_318 {
        %add3A_352 = arith.constant 8 : i32
        %add3A_353 = arith.addi %add3A_287, %add3A_352 : i32
        %mul3A_354 = arith.constant 2048 : i32
        %mul3A_355 = arith.muli %add3A_353, %mul3A_354 : i32
        %add3A_356 = arith.addi %mul3A_2, %mul3A_355 : i32
        %multiple_of3A_357 = tpu.assume_multiple %add3A_356, 2048 : i32
        %dma_start3A_358 = tpu.memref_slice %arg3[%multiple_of3A_357] : memref<8388608xi32, #tpu.memory_space<hbm>> -> memref<2048xi32, #tpu.memory_space<hbm>>
        %dma_start3A_359 = tpu.memref_slice %arg3[%multiple_of3A_357] : memref<8388608xi32, #tpu.memory_space<hbm>> -> memref<2048xi32, #tpu.memory_space<hbm>>
        tpu.enqueue_dma source(%dma_start3A_359 : memref<2048xi32, #tpu.memory_space<hbm>>) target(%arg13 : memref<2048xi32, #tpu.memory_space<vmem>>) target_semaphore(%arg29 : memref<!tpu.dma_semaphore, #tpu.memory_space<semaphore_mem>>)
      } else {
      }
      %add3A_319 = arith.constant 7 : i32
      %add3A_320 = arith.addi %add3A_91, %add3A_319 : i32
      %mul3A_321 = arith.constant 2048 : i32
      %mul3A_322 = arith.muli %add3A_320, %mul3A_321 : i32
      %add3A_323 = arith.addi %mul3A_2, %mul3A_322 : i32
      %multiple_of3A_324 = tpu.assume_multiple %add3A_323, 2048 : i32
      %dma_wait3A_325 = tpu.memref_slice %arg3[%multiple_of3A_324] : memref<8388608xi32, #tpu.memory_space<hbm>> -> memref<2048xi32, #tpu.memory_space<hbm>>
      %dma_wait3A_326 = tpu.memref_slice %arg3[%multiple_of3A_324] : memref<8388608xi32, #tpu.memory_space<hbm>> -> memref<2048xi32, #tpu.memory_space<hbm>>
      tpu.wait_dma2 semaphore(%arg30 : memref<!tpu.dma_semaphore, #tpu.memory_space<semaphore_mem>>) src(%dma_wait3A_326 : memref<2048xi32, #tpu.memory_space<hbm>>) dst(%arg14 : memref<2048xi32, #tpu.memory_space<vmem>>)
      %ge3A_327 = arith.constant 8 : i32
      %ge3A_328 = arith.cmpi sge, %add3A_320, %ge3A_327 : i32
      %convert_element_type3A_329 = arith.extui %ge3A_328 : i1 to i32
      %cond3A_330 = arith.constant 0 : i32
      %cond3A_331 = arith.cmpi ne, %convert_element_type3A_329, %cond3A_330 : i32
      scf.if %cond3A_331 {
        %sub3A = arith.constant 8 : i32
        %sub3A_352 = arith.subi %add3A_320, %sub3A : i32
        %mul3A_353 = arith.constant 2048 : i32
        %mul3A_354 = arith.muli %sub3A_352, %mul3A_353 : i32
        %add3A_355 = arith.addi %mul3A_2, %mul3A_354 : i32
        %multiple_of3A_356 = tpu.assume_multiple %add3A_355, 2048 : i32
        %dma_wait3A_357 = tpu.memref_slice %arg4[%multiple_of3A_356] : memref<8388608xf32, #tpu.memory_space<hbm>> -> memref<2048xf32, #tpu.memory_space<hbm>>
        %dma_wait3A_358 = tpu.memref_slice %arg4[%multiple_of3A_356] : memref<8388608xf32, #tpu.memory_space<hbm>> -> memref<2048xf32, #tpu.memory_space<hbm>>
        tpu.wait_dma2 semaphore(%arg38 : memref<!tpu.dma_semaphore, #tpu.memory_space<semaphore_mem>>) src(%arg22 : memref<2048xf32, #tpu.memory_space<vmem>>) dst(%dma_wait3A_358 : memref<2048xf32, #tpu.memory_space<hbm>>)
      } else {
      }
      %scan3A_332 = arith.constant 0 : i32
      %scan3A_333 = arith.constant 0 : i32
      %scan3A_334 = arith.constant 16 : i32
      %scan3A_335 = arith.addi %scan3A_333, %scan3A_334 : i32
      %scan3A_336 = arith.constant 1 : i32
      %scan3A_337 = scf.for %scan3A_352 = %scan3A_333 to %scan3A_335 step %scan3A_336 iter_args(%scan3A_353 = %scan3A_332) -> (i32)  : i32 {
        %mul3A_354 = arith.constant 128 : i32
        %mul3A_355 = arith.muli %scan3A_352, %mul3A_354 : i32
        %multiple_of3A_356 = tpu.assume_multiple %mul3A_355, 128 : i32
        %add3A_357 = arith.constant 0 : i32
        %add3A_358 = arith.addi %multiple_of3A_356, %add3A_357 : i32
        %get3A = arith.index_cast %add3A_358 : i32 to index
        %get3A_359 = tpu.vector_load %arg14[%get3A] {strides = array<i32>} : memref<2048xi32, #tpu.memory_space<vmem>>, vector<16xi32>,
        %add3A_360 = arith.constant 16 : i32
        %add3A_361 = arith.addi %multiple_of3A_356, %add3A_360 : i32
        %get3A_362 = arith.index_cast %add3A_361 : i32 to index
        %get3A_363 = tpu.vector_load %arg14[%get3A_362] {strides = array<i32>} : memref<2048xi32, #tpu.memory_space<vmem>>, vector<16xi32>,
        %add3A_364 = arith.constant 32 : i32
        %add3A_365 = arith.addi %multiple_of3A_356, %add3A_364 : i32
        %get3A_366 = arith.index_cast %add3A_365 : i32 to index
        %get3A_367 = tpu.vector_load %arg14[%get3A_366] {strides = array<i32>} : memref<2048xi32, #tpu.memory_space<vmem>>, vector<16xi32>,
        %add3A_368 = arith.constant 48 : i32
        %add3A_369 = arith.addi %multiple_of3A_356, %add3A_368 : i32
        %get3A_370 = arith.index_cast %add3A_369 : i32 to index
        %get3A_371 = tpu.vector_load %arg14[%get3A_370] {strides = array<i32>} : memref<2048xi32, #tpu.memory_space<vmem>>, vector<16xi32>,
        %add3A_372 = arith.constant 64 : i32
        %add3A_373 = arith.addi %multiple_of3A_356, %add3A_372 : i32
        %get3A_374 = arith.index_cast %add3A_373 : i32 to index
        %get3A_375 = tpu.vector_load %arg14[%get3A_374] {strides = array<i32>} : memref<2048xi32, #tpu.memory_space<vmem>>, vector<16xi32>,
        %add3A_376 = arith.constant 80 : i32
        %add3A_377 = arith.addi %multiple_of3A_356, %add3A_376 : i32
        %get3A_378 = arith.index_cast %add3A_377 : i32 to index
        %get3A_379 = tpu.vector_load %arg14[%get3A_378] {strides = array<i32>} : memref<2048xi32, #tpu.memory_space<vmem>>, vector<16xi32>,
        %add3A_380 = arith.constant 96 : i32
        %add3A_381 = arith.addi %multiple_of3A_356, %add3A_380 : i32
        %get3A_382 = arith.index_cast %add3A_381 : i32 to index
        %get3A_383 = tpu.vector_load %arg14[%get3A_382] {strides = array<i32>} : memref<2048xi32, #tpu.memory_space<vmem>>, vector<16xi32>,
        %add3A_384 = arith.constant 112 : i32
        %add3A_385 = arith.addi %multiple_of3A_356, %add3A_384 : i32
        %get3A_386 = arith.index_cast %add3A_385 : i32 to index
        %get3A_387 = tpu.vector_load %arg14[%get3A_386] {strides = array<i32>} : memref<2048xi32, #tpu.memory_space<vmem>>, vector<16xi32>,
        %gather3A = tpu.vector_load_idx %arg5[%get3A_359] : memref<65536xf32, #tpu.memory_space<vmem>>[vector<16xi32>], vector<16xf32>,
        %gather3A_388 = tpu.vector_load_idx %arg5[%get3A_363] : memref<65536xf32, #tpu.memory_space<vmem>>[vector<16xi32>], vector<16xf32>,
        %gather3A_389 = tpu.vector_load_idx %arg5[%get3A_367] : memref<65536xf32, #tpu.memory_space<vmem>>[vector<16xi32>], vector<16xf32>,
        %gather3A_390 = tpu.vector_load_idx %arg5[%get3A_371] : memref<65536xf32, #tpu.memory_space<vmem>>[vector<16xi32>], vector<16xf32>,
        %gather3A_391 = tpu.vector_load_idx %arg5[%get3A_375] : memref<65536xf32, #tpu.memory_space<vmem>>[vector<16xi32>], vector<16xf32>,
        %gather3A_392 = tpu.vector_load_idx %arg5[%get3A_379] : memref<65536xf32, #tpu.memory_space<vmem>>[vector<16xi32>], vector<16xf32>,
        %gather3A_393 = tpu.vector_load_idx %arg5[%get3A_383] : memref<65536xf32, #tpu.memory_space<vmem>>[vector<16xi32>], vector<16xf32>,
        %gather3A_394 = tpu.vector_load_idx %arg5[%get3A_387] : memref<65536xf32, #tpu.memory_space<vmem>>[vector<16xi32>], vector<16xf32>,
        %add3A_395 = arith.constant 0 : i32
        %add3A_396 = arith.addi %multiple_of3A_356, %add3A_395 : i32
        %swap3A = arith.index_cast %add3A_396 : i32 to index
        %swap3A_397 = tpu.vector_load %arg22[%swap3A] {strides = array<i32>} : memref<2048xf32, #tpu.memory_space<vmem>>, vector<16xf32>,
        tpu.vector_store %arg22[%swap3A], %gather3A {strides = array<i32>} : memref<2048xf32, #tpu.memory_space<vmem>>, vector<16xf32>,
        %add3A_398 = arith.constant 16 : i32
        %add3A_399 = arith.addi %multiple_of3A_356, %add3A_398 : i32
        %swap3A_400 = arith.index_cast %add3A_399 : i32 to index
        %swap3A_401 = tpu.vector_load %arg22[%swap3A_400] {strides = array<i32>} : memref<2048xf32, #tpu.memory_space<vmem>>, vector<16xf32>,
        tpu.vector_store %arg22[%swap3A_400], %gather3A_388 {strides = array<i32>} : memref<2048xf32, #tpu.memory_space<vmem>>, vector<16xf32>,
        %add3A_402 = arith.constant 32 : i32
        %add3A_403 = arith.addi %multiple_of3A_356, %add3A_402 : i32
        %swap3A_404 = arith.index_cast %add3A_403 : i32 to index
        %swap3A_405 = tpu.vector_load %arg22[%swap3A_404] {strides = array<i32>} : memref<2048xf32, #tpu.memory_space<vmem>>, vector<16xf32>,
        tpu.vector_store %arg22[%swap3A_404], %gather3A_389 {strides = array<i32>} : memref<2048xf32, #tpu.memory_space<vmem>>, vector<16xf32>,
        %add3A_406 = arith.constant 48 : i32
        %add3A_407 = arith.addi %multiple_of3A_356, %add3A_406 : i32
        %swap3A_408 = arith.index_cast %add3A_407 : i32 to index
        %swap3A_409 = tpu.vector_load %arg22[%swap3A_408] {strides = array<i32>} : memref<2048xf32, #tpu.memory_space<vmem>>, vector<16xf32>,
        tpu.vector_store %arg22[%swap3A_408], %gather3A_390 {strides = array<i32>} : memref<2048xf32, #tpu.memory_space<vmem>>, vector<16xf32>,
        %add3A_410 = arith.constant 64 : i32
        %add3A_411 = arith.addi %multiple_of3A_356, %add3A_410 : i32
        %swap3A_412 = arith.index_cast %add3A_411 : i32 to index
        %swap3A_413 = tpu.vector_load %arg22[%swap3A_412] {strides = array<i32>} : memref<2048xf32, #tpu.memory_space<vmem>>, vector<16xf32>,
        tpu.vector_store %arg22[%swap3A_412], %gather3A_391 {strides = array<i32>} : memref<2048xf32, #tpu.memory_space<vmem>>, vector<16xf32>,
        %add3A_414 = arith.constant 80 : i32
        %add3A_415 = arith.addi %multiple_of3A_356, %add3A_414 : i32
        %swap3A_416 = arith.index_cast %add3A_415 : i32 to index
        %swap3A_417 = tpu.vector_load %arg22[%swap3A_416] {strides = array<i32>} : memref<2048xf32, #tpu.memory_space<vmem>>, vector<16xf32>,
        tpu.vector_store %arg22[%swap3A_416], %gather3A_392 {strides = array<i32>} : memref<2048xf32, #tpu.memory_space<vmem>>, vector<16xf32>,
        %add3A_418 = arith.constant 96 : i32
        %add3A_419 = arith.addi %multiple_of3A_356, %add3A_418 : i32
        %swap3A_420 = arith.index_cast %add3A_419 : i32 to index
        %swap3A_421 = tpu.vector_load %arg22[%swap3A_420] {strides = array<i32>} : memref<2048xf32, #tpu.memory_space<vmem>>, vector<16xf32>,
        tpu.vector_store %arg22[%swap3A_420], %gather3A_393 {strides = array<i32>} : memref<2048xf32, #tpu.memory_space<vmem>>, vector<16xf32>,
        %add3A_422 = arith.constant 112 : i32
        %add3A_423 = arith.addi %multiple_of3A_356, %add3A_422 : i32
        %swap3A_424 = arith.index_cast %add3A_423 : i32 to index
        %swap3A_425 = tpu.vector_load %arg22[%swap3A_424] {strides = array<i32>} : memref<2048xf32, #tpu.memory_space<vmem>>, vector<16xf32>,
        tpu.vector_store %arg22[%swap3A_424], %gather3A_394 {strides = array<i32>} : memref<2048xf32, #tpu.memory_space<vmem>>, vector<16xf32>,
        %scan3A_426 = arith.constant 0 : i32
        scf.yield %scan3A_426 : i32
      }
      %scan3A_338 = arith.constant 16 : i32
      %mul3A_339 = arith.constant 2048 : i32
      %mul3A_340 = arith.muli %add3A_320, %mul3A_339 : i32
      %add3A_341 = arith.addi %mul3A_2, %mul3A_340 : i32
      %multiple_of3A_342 = tpu.assume_multiple %add3A_341, 2048 : i32
      %dma_start3A_343 = tpu.memref_slice %arg4[%multiple_of3A_342] : memref<8388608xf32, #tpu.memory_space<hbm>> -> memref<2048xf32, #tpu.memory_space<hbm>>
      %dma_start3A_344 = tpu.memref_slice %arg4[%multiple_of3A_342] : memref<8388608xf32, #tpu.memory_space<hbm>> -> memref<2048xf32, #tpu.memory_space<hbm>>
      tpu.enqueue_dma source(%arg22 : memref<2048xf32, #tpu.memory_space<vmem>>) target(%dma_start3A_344 : memref<2048xf32, #tpu.memory_space<hbm>>) target_semaphore(%arg38 : memref<!tpu.dma_semaphore, #tpu.memory_space<semaphore_mem>>)
      %add3A_345 = arith.constant 8 : i32
      %add3A_346 = arith.addi %add3A_320, %add3A_345 : i32
      %lt3A_347 = arith.constant 128 : i32
      %lt3A_348 = arith.cmpi slt, %add3A_346, %lt3A_347 : i32
      %convert_element_type3A_349 = arith.extui %lt3A_348 : i1 to i32
      %cond3A_350 = arith.constant 0 : i32
      %cond3A_351 = arith.cmpi ne, %convert_element_type3A_349, %cond3A_350 : i32
      scf.if %cond3A_351 {
        %add3A_352 = arith.constant 8 : i32
        %add3A_353 = arith.addi %add3A_320, %add3A_352 : i32
        %mul3A_354 = arith.constant 2048 : i32
        %mul3A_355 = arith.muli %add3A_353, %mul3A_354 : i32
        %add3A_356 = arith.addi %mul3A_2, %mul3A_355 : i32
        %multiple_of3A_357 = tpu.assume_multiple %add3A_356, 2048 : i32
        %dma_start3A_358 = tpu.memref_slice %arg3[%multiple_of3A_357] : memref<8388608xi32, #tpu.memory_space<hbm>> -> memref<2048xi32, #tpu.memory_space<hbm>>
        %dma_start3A_359 = tpu.memref_slice %arg3[%multiple_of3A_357] : memref<8388608xi32, #tpu.memory_space<hbm>> -> memref<2048xi32, #tpu.memory_space<hbm>>
        tpu.enqueue_dma source(%dma_start3A_359 : memref<2048xi32, #tpu.memory_space<hbm>>) target(%arg14 : memref<2048xi32, #tpu.memory_space<vmem>>) target_semaphore(%arg30 : memref<!tpu.dma_semaphore, #tpu.memory_space<semaphore_mem>>)
      } else {
      }
    }
    %scan3A_47 = arith.constant 16 : i32
    %add3A_48 = arith.constant 245760 : i32
    %add3A_49 = arith.addi %mul3A_2, %add3A_48 : i32
    %multiple_of3A_50 = tpu.assume_multiple %add3A_49, 2048 : i32
    %dma_wait3A = tpu.memref_slice %arg4[%multiple_of3A_50] : memref<8388608xf32, #tpu.memory_space<hbm>> -> memref<2048xf32, #tpu.memory_space<hbm>>
    %dma_wait3A_51 = tpu.memref_slice %arg4[%multiple_of3A_50] : memref<8388608xf32, #tpu.memory_space<hbm>> -> memref<2048xf32, #tpu.memory_space<hbm>>
    tpu.wait_dma2 semaphore(%arg31 : memref<!tpu.dma_semaphore, #tpu.memory_space<semaphore_mem>>) src(%arg15 : memref<2048xf32, #tpu.memory_space<vmem>>) dst(%dma_wait3A_51 : memref<2048xf32, #tpu.memory_space<hbm>>)
    %add3A_52 = arith.constant 247808 : i32
    %add3A_53 = arith.addi %mul3A_2, %add3A_52 : i32
    %multiple_of3A_54 = tpu.assume_multiple %add3A_53, 2048 : i32
    %dma_wait3A_55 = tpu.memref_slice %arg4[%multiple_of3A_54] : memref<8388608xf32, #tpu.memory_space<hbm>> -> memref<2048xf32, #tpu.memory_space<hbm>>
    %dma_wait3A_56 = tpu.memref_slice %arg4[%multiple_of3A_54] : memref<8388608xf32, #tpu.memory_space<hbm>> -> memref<2048xf32, #tpu.memory_space<hbm>>
    tpu.wait_dma2 semaphore(%arg32 : memref<!tpu.dma_semaphore, #tpu.memory_space<semaphore_mem>>) src(%arg16 : memref<2048xf32, #tpu.memory_space<vmem>>) dst(%dma_wait3A_56 : memref<2048xf32, #tpu.memory_space<hbm>>)
    %add3A_57 = arith.constant 249856 : i32
    %add3A_58 = arith.addi %mul3A_2, %add3A_57 : i32
    %multiple_of3A_59 = tpu.assume_multiple %add3A_58, 2048 : i32
    %dma_wait3A_60 = tpu.memref_slice %arg4[%multiple_of3A_59] : memref<8388608xf32, #tpu.memory_space<hbm>> -> memref<2048xf32, #tpu.memory_space<hbm>>
    %dma_wait3A_61 = tpu.memref_slice %arg4[%multiple_of3A_59] : memref<8388608xf32, #tpu.memory_space<hbm>> -> memref<2048xf32, #tpu.memory_space<hbm>>
    tpu.wait_dma2 semaphore(%arg33 : memref<!tpu.dma_semaphore, #tpu.memory_space<semaphore_mem>>) src(%arg17 : memref<2048xf32, #tpu.memory_space<vmem>>) dst(%dma_wait3A_61 : memref<2048xf32, #tpu.memory_space<hbm>>)
    %add3A_62 = arith.constant 251904 : i32
    %add3A_63 = arith.addi %mul3A_2, %add3A_62 : i32
    %multiple_of3A_64 = tpu.assume_multiple %add3A_63, 2048 : i32
    %dma_wait3A_65 = tpu.memref_slice %arg4[%multiple_of3A_64] : memref<8388608xf32, #tpu.memory_space<hbm>> -> memref<2048xf32, #tpu.memory_space<hbm>>
    %dma_wait3A_66 = tpu.memref_slice %arg4[%multiple_of3A_64] : memref<8388608xf32, #tpu.memory_space<hbm>> -> memref<2048xf32, #tpu.memory_space<hbm>>
    tpu.wait_dma2 semaphore(%arg34 : memref<!tpu.dma_semaphore, #tpu.memory_space<semaphore_mem>>) src(%arg18 : memref<2048xf32, #tpu.memory_space<vmem>>) dst(%dma_wait3A_66 : memref<2048xf32, #tpu.memory_space<hbm>>)
    %add3A_67 = arith.constant 253952 : i32
    %add3A_68 = arith.addi %mul3A_2, %add3A_67 : i32
    %multiple_of3A_69 = tpu.assume_multiple %add3A_68, 2048 : i32
    %dma_wait3A_70 = tpu.memref_slice %arg4[%multiple_of3A_69] : memref<8388608xf32, #tpu.memory_space<hbm>> -> memref<2048xf32, #tpu.memory_space<hbm>>
    %dma_wait3A_71 = tpu.memref_slice %arg4[%multiple_of3A_69] : memref<8388608xf32, #tpu.memory_space<hbm>> -> memref<2048xf32, #tpu.memory_space<hbm>>
    tpu.wait_dma2 semaphore(%arg35 : memref<!tpu.dma_semaphore, #tpu.memory_space<semaphore_mem>>) src(%arg19 : memref<2048xf32, #tpu.memory_space<vmem>>) dst(%dma_wait3A_71 : memref<2048xf32, #tpu.memory_space<hbm>>)
    %add3A_72 = arith.constant 256000 : i32
    %add3A_73 = arith.addi %mul3A_2, %add3A_72 : i32
    %multiple_of3A_74 = tpu.assume_multiple %add3A_73, 2048 : i32
    %dma_wait3A_75 = tpu.memref_slice %arg4[%multiple_of3A_74] : memref<8388608xf32, #tpu.memory_space<hbm>> -> memref<2048xf32, #tpu.memory_space<hbm>>
    %dma_wait3A_76 = tpu.memref_slice %arg4[%multiple_of3A_74] : memref<8388608xf32, #tpu.memory_space<hbm>> -> memref<2048xf32, #tpu.memory_space<hbm>>
    tpu.wait_dma2 semaphore(%arg36 : memref<!tpu.dma_semaphore, #tpu.memory_space<semaphore_mem>>) src(%arg20 : memref<2048xf32, #tpu.memory_space<vmem>>) dst(%dma_wait3A_76 : memref<2048xf32, #tpu.memory_space<hbm>>)
    %add3A_77 = arith.constant 258048 : i32
    %add3A_78 = arith.addi %mul3A_2, %add3A_77 : i32
    %multiple_of3A_79 = tpu.assume_multiple %add3A_78, 2048 : i32
    %dma_wait3A_80 = tpu.memref_slice %arg4[%multiple_of3A_79] : memref<8388608xf32, #tpu.memory_space<hbm>> -> memref<2048xf32, #tpu.memory_space<hbm>>
    %dma_wait3A_81 = tpu.memref_slice %arg4[%multiple_of3A_79] : memref<8388608xf32, #tpu.memory_space<hbm>> -> memref<2048xf32, #tpu.memory_space<hbm>>
    tpu.wait_dma2 semaphore(%arg37 : memref<!tpu.dma_semaphore, #tpu.memory_space<semaphore_mem>>) src(%arg21 : memref<2048xf32, #tpu.memory_space<vmem>>) dst(%dma_wait3A_81 : memref<2048xf32, #tpu.memory_space<hbm>>)
    %add3A_82 = arith.constant 260096 : i32
    %add3A_83 = arith.addi %mul3A_2, %add3A_82 : i32
    %multiple_of3A_84 = tpu.assume_multiple %add3A_83, 2048 : i32
    %dma_wait3A_85 = tpu.memref_slice %arg4[%multiple_of3A_84] : memref<8388608xf32, #tpu.memory_space<hbm>> -> memref<2048xf32, #tpu.memory_space<hbm>>
    %dma_wait3A_86 = tpu.memref_slice %arg4[%multiple_of3A_84] : memref<8388608xf32, #tpu.memory_space<hbm>> -> memref<2048xf32, #tpu.memory_space<hbm>>
    tpu.wait_dma2 semaphore(%arg38 : memref<!tpu.dma_semaphore, #tpu.memory_space<semaphore_mem>>) src(%arg22 : memref<2048xf32, #tpu.memory_space<vmem>>) dst(%dma_wait3A_86 : memref<2048xf32, #tpu.memory_space<hbm>>)
    return
  }
}

module attributes {stable_mosaic.version = 14 : i64} {
  func.func @_log_table_body(%arg0: memref<512x128xf32, #tpu.memory_space<vmem>>, %arg1: memref<512x128xf32, #tpu.memory_space<vmem>>) attributes {dimension_semantics = [], scalar_prefetch = 0 : i64, scratch_operands = 0 : i64, tpu.core_type = #tpu.core_type<tc>} {
    %get3A = arith.constant 0 : index
    %get3A_0 = arith.constant 0 : index
    %get3A_1 = vector.load %arg0[%get3A, %get3A_0] : memref<512x128xf32, #tpu.memory_space<vmem>>, vector<512x128xf32>
    %reduce_sum3A = vector.shape_cast %get3A_1 : vector<512x128xf32> to vector<1x512x128xf32>
    %reduce_sum3A_2 = arith.constant dense<0.000000e+00> : vector<1xf32>
    %reduce_sum3A_3 = vector.multi_reduction <add>, %reduce_sum3A, %reduce_sum3A_2 [1, 2] : vector<1x512x128xf32> to vector<1xf32>
    %reduce_sum3A_4 = vector.shape_cast %reduce_sum3A_3 : vector<1xf32> to vector<1x1x1xf32>
    %reduce_sum3A_5 = vector.extract %reduce_sum3A_4[0, 0, 0] : f32 from vector<1x1x1xf32>
    %log3A = math.log %get3A_1 : vector<512x128xf32>
    %log3A_6 = math.log %reduce_sum3A_5 : f32
    %sub3A = vector.broadcast %log3A_6 : f32 to vector<512x128xf32>
    %sub3A_7 = arith.subf %log3A, %sub3A : vector<512x128xf32>
    %swap3A = arith.constant 0 : index
    %swap3A_8 = arith.constant 0 : index
    %swap3A_9 = vector.load %arg1[%swap3A, %swap3A_8] : memref<512x128xf32, #tpu.memory_space<vmem>>, vector<512x128xf32>
    tpu.vector_store %arg1[%swap3A, %swap3A_8], %sub3A_7 {strides = array<i32>} : memref<512x128xf32, #tpu.memory_space<vmem>>, vector<512x128xf32>,
    return
  }
}

</mosaic_0001>

<sc_bundles>
// kernel: kernel.4.cloned.1.call-start
scs
__scs_entry_jumppad:
0x0: {  	(pc) =	sbr.rel $0x88, $3  }
0x1: {  	(tag) =	ssettag $0x0;
	lr =	simm.s32 $0x1  }
0x2: {  	[smem:$0x3F9F] =	sst lr;
	_ =	strace $0xD0000000  }
0x3: {  	_ = 	snop  }
0x4: {  	_ = 	snop  }
0x5: {  	_ = 	snop  }
0x6: {  	_ = 	snop  }
0x7: {  	_ = 	snop  }
__scs_overlays_trampoline_lowered:
0x8: {  	[smem:$0x3FAE] =	sst s0  }
0x9: {  	[smem:$0x3FAF] =	sst s1  }
0xa: {  	[smem:$0x3FB0] =	sst s2  }
0xb: {  	[smem:$0x3FB1] =	sst s3  }
0xc: {  	[smem:$0x3FB2] =	sst s4  }
0xd: {  	[smem:$0x3FB3] =	sst s5  }
0xe: {  	[smem:$0x3FB4] =	sst s6  }
0xf: {  	[smem:$0x3FB5] =	sst s7  }
0x10: {  	[smem:$0x3FB6] =	sst s8  }
0x11: {  	[smem:$0x3FB7] =	sst s9;
	s0 =	simm.s32 @!p0 $0x0  }
0x12: {  	s1 =	sld [smem:$0x3F9D];
	s0 =	simm.s32 @p0 $0x1  }
0x13: {  	[smem:$0x3FB8] =	sst s0;
	s0 =	simm.s32 @!p1 $0x0  }
0x14: {  	s2 =	sld [smem:$0x3F9C];
	s0 =	simm.s32 @p1 $0x1  }
0x15: {  	[smem:$0x3FB9] =	sst s0;
	s0 =	simm.s32 @!p2 $0x0  }
0x16: {  	s3 =	sld [smem:$0x3FDB];
	s0 =	simm.s32 @p2 $0x1  }
0x17: {  	s4 =	simm.s32 $0x1BF5;
	[smem:$0x3FBB] =	sst s0  }
0x18: {  	s0 =	sld [smem:$0x3F9E];
	_ =	swait.ge [sflag:s4], $0x0  }
0x19: {  	s7 =	sld [smem:$0x3F9F]  }
0x1a: {  	s8 =	sadd.s32 $0xFFFFE003, lr  }
0x1b: {  	s9 =	sadd.s32 $0xFFFFFEF7, lr;
	s5 =	simm.s32 $0xFFFFFFFF;
	p2 =	slt.u32 s8, $0xFFFFF086  }
0x1c: {  	p1 =	slt.u32 s9, $0xF7A;
	s5 =	simm.s32 @!p2 $0x0  }
0x1d: {  	s5 =	simm.s32 @p1 $0x1;
	p0 =	seq.s32 s7, s2  }
0x1e: {  	s7 =	smul.u32 @!p0 $0xF7A, s2;
	p2 =	seq.s32 @!p0 s5, $0x0  }
0x1f: {  	s9 =	smul.u32 $0xF7A, s1;
	s8 =	simm.s32 @!p0 $0x1BF5;
	p2 =	por !p2, p0  }
0x20: {  	[sflag:s8] =	ssyncset.s32 @!p0 $0xFFFFF086;
	s6 =	sadd.s32 @!p0 s3, s7;
	s7 =	simm.s32 @!p0 $0x108  }
0x21: {  	s3 =	sadd.s32 s3, s9;
	s6 =	sadd.s32 @!p0 $0x88, s6;
	s7 =	simm.s32 @p2 $0x1082  }
0x22: {  	[simem:s7], [sflag:s8] =	dma.local @!p0 [hbm:s6], $0xF7A  }
0x23: {  	s9 =	sor.u32 $0xD0000000, s2;
	s6 =	simm.s32 $0x108;
	_ =	swait.ge @!p0 [sflag:s8], $0x0  }
0x24: {  	s3 =	sadd.s32 $0x88, s3;
	s6 =	simm.s32 @!p1 $0x1082;
	[sflag:s4] =	ssyncset.s32 $0xFFFFF086  }
0x25: {  	[simem:s6], [sflag:s4] =	dma.local [hbm:s3], $0xF7A  }
0x26: {  	[smem:$0x3F9F] =	sst s1;
	(tag) =	ssettag s2;
	_ =	strace s9  }
0x27: {  	s1 =	sld [smem:$0x3FAF]  }
0x28: {  	s2 =	sld [smem:$0x3FB0]  }
0x29: {  	s4 =	sld [smem:$0x3FB2]  }
0x2a: {  	p0 =	seq.s32 s5, $0x0;
	s5 =	sld [smem:$0x3FB3]  }
0x2b: {  	s6 =	sld [smem:$0x3FB4]  }
0x2c: {  	s7 =	sld [smem:$0x3FB5]  }
0x2d: {  	s3 =	simm.s32 $0x108;
	s8 =	sld [smem:$0x3FB6]  }
0x2e: {  	s3 =	simm.s32 @!p0 $0x1082;
	s9 =	sld [smem:$0x3FB7]  }
0x2f: {  	lr =	sadd.s32 s0, s3;
	s0 =	sld [smem:$0x3FAE]  }
0x30: {  	s3 =	sld [smem:$0x3FB1]  }
0x31: {  	[smem:$0x3FBA] =	sst s10  }
0x32: {  	s10 =	sld [smem:$0x3FB8];
	_ =	sdelay $0x3  }
0x33: {  	p0 =	seq.s32 s10, $0x1;
	s10 =	sld [smem:$0x3FBA];
	_ =	sdelay $0x3  }
0x34: {  	[smem:$0x3FBA] =	sst s10  }
0x35: {  	s10 =	sld [smem:$0x3FB9];
	_ =	sdelay $0x3  }
0x36: {  	p1 =	seq.s32 s10, $0x1;
	s10 =	sld [smem:$0x3FBA];
	_ =	sdelay $0x3  }
0x37: {  	[smem:$0x3FBA] =	sst s10  }
0x38: {  	s10 =	sld [smem:$0x3FBB]  }
0x39: {  	_ = 	snop;
	(pc) =	sbr.ind lr, $3  }
0x3a: {  	_ = 	snop  }
0x3b: {  	_ = 	snop  }
0x3c: {  	p2 =	seq.s32 s10, $0x1;
	s10 =	sld [smem:$0x3FBA]  }
0x3d: {  	_ =	shalt  }
0x3e: {  	_ =	shalt  }
0x3f: {  	_ =	shalt  }
0x40: {  	_ =	shalt  }
0x41: {  	_ =	shalt  }
0x42: {  	_ =	shalt  }
0x43: {  	_ =	shalt  }
0x44: {  	_ =	shalt  }
0x45: {  	_ =	shalt  }
0x46: {  	_ =	shalt  }
0x47: {  	_ =	shalt  }
0x48: {  	_ =	shalt  }
0x49: {  	_ =	shalt  }
0x4a: {  	_ =	shalt  }
0x4b: {  	_ =	shalt  }
0x4c: {  	_ =	shalt  }
0x4d: {  	_ =	shalt  }
0x4e: {  	_ =	shalt  }
0x4f: {  	_ =	shalt  }
0x50: {  	_ =	shalt  }
0x51: {  	_ =	shalt  }
0x52: {  	_ =	shalt  }
0x53: {  	_ =	shalt  }
0x54: {  	_ =	shalt  }
0x55: {  	_ =	shalt  }
0x56: {  	_ =	shalt  }
0x57: {  	_ =	shalt  }
0x58: {  	_ =	shalt  }
0x59: {  	_ =	shalt  }
0x5a: {  	_ =	shalt  }
0x5b: {  	_ =	shalt  }
0x5c: {  	_ =	shalt  }
0x5d: {  	_ =	shalt  }
0x5e: {  	_ =	shalt  }
0x5f: {  	_ =	shalt  }
0x60: {  	_ =	shalt  }
0x61: {  	_ =	shalt  }
0x62: {  	_ =	shalt  }
0x63: {  	_ =	shalt  }
0x64: {  	_ =	shalt  }
0x65: {  	_ =	shalt  }
0x66: {  	_ =	shalt  }
0x67: {  	_ =	shalt  }
0x68: {  	_ =	shalt  }
0x69: {  	_ =	shalt  }
0x6a: {  	_ =	shalt  }
0x6b: {  	_ =	shalt  }
0x6c: {  	_ =	shalt  }
0x6d: {  	_ =	shalt  }
0x6e: {  	_ =	shalt  }
0x6f: {  	_ =	shalt  }
0x70: {  	_ =	shalt  }
0x71: {  	_ =	shalt  }
0x72: {  	_ =	shalt  }
0x73: {  	_ =	shalt  }
0x74: {  	_ =	shalt  }
0x75: {  	_ =	shalt  }
0x76: {  	_ =	shalt  }
0x77: {  	_ =	shalt  }
0x78: {  	_ =	shalt  }
0x79: {  	_ =	shalt  }
0x7a: {  	_ =	shalt  }
0x7b: {  	_ =	shalt  }
0x7c: {  	_ =	shalt  }
0x7d: {  	_ =	shalt  }
0x7e: {  	_ =	shalt  }
0x7f: {  	_ =	shalt  }
0x80: {  	_ =	shalt  }
0x81: {  	_ =	shalt  }
0x82: {  	_ =	shalt  }
0x83: {  	_ =	shalt  }
0x84: {  	_ =	shalt  }
0x85: {  	_ =	shalt  }
0x86: {  	_ =	shalt  }
0x87: {  	_ =	shalt  }
.Lfunc_end0:
.L_simem_size_0:
called_computation_lowered:
.L_overlay_start_0:
0x88: {  	s2 =	sld [smem:$0x3FD9]  }
0x89: {  	s3 =	sld [smem:$0x3FFE];
	_ =	sdelay $0x1  }
0x8a: {  	s1 =	srdreg.scid  }
0x8b: {  	s0 =	sand.u32 $0x1, s1  }
0x8c: {  	s17 =	sshll.u32 s0, $0xA;
	s2 =	sadd.s32 s3, s2  }
0x8d: {  	s2 =	sadd.s32 s2, s17  }
0x8e: {  	[smem:$0x3FC6] =	sst s2  }
0x8f: {  	_ = 	snop  }
0x90: {  	s2 =	sld [smem:$0x3FC9]  }
0x91: {  	s18 =	sld [smem:$0x3FD0];
	(tm) =	ssettm $0x1  }
0x92: {  	s4 =	sld [smem:$0x3FFB];
	_ =	sdelay $0x3  }
0x93: {  	_ =	strace s4  }
0x94: {  	s4 =	sld [smem:$0x3FFC];
	_ =	sdelay $0x3  }
0x95: {  	_ =	strace s4  }
0x96: {  	s4 =	sld [smem:$0x3FFD];
	_ =	sdelay $0x3  }
0x97: {  	_ =	strace s4  }
0x98: {  	_ =	strace $0x8FFFFFFF  }
0x99: {  	s19 =	sld [smem:$0x3FDB];
	_ =	sdelay $0x1  }
0x9a: {  	s5 =	simm.s32 $_scs_section_size  }
0x9b: {  	s6 =	simm.s32 $_size__tile_overlayer_lowered;
	s7 =	simm.s32 $_tile_overlayer_lowered  }
0x9c: {  	s22 =	simm.s32 $0x1BFF;
	s21 =	sshll.u32 s7, $0x1;
	s4 =	sadd.s32 s5, s19  }
0x9d: {  	s8 =	simm.s32 $0x0;
	s20 =	sshll.u32 s6, $0x1;
	s6 =	sadd.s32 s21, s4  }
0x9e: {  	[timem:s8], [sflag:s22] =	dma.local [hbm:s6], s20  }
0x9f: {  	_ =	swait.ge [sflag:s22], s20  }
0xa0: {  	s5 =	ssub.s32 $0x0, s20;
	[sflag:s22] =	ssyncset.done $0x0  }
0xa1: {  	[sflag:s22] =	ssyncadd.s32 s5;
	_ =	sdelay $0x1  }
0xa2: {  	s23 =	simm.s32 $0x1B8B  }
0xa3: {  	_ =	swait.ge [sflag:s23], $0x1  }
0xa4: {  	[sflag:s23] =	ssyncset.done $0x0  }
0xa5: {  	s25 =	simm.s32 $0x1B8E;
	s24 =	sld [smem:$0x3FFE];
	[sflag:s23] =	ssyncadd.s32 $0xFFFFFFFF  }
0xa6: {  	s26 =	simm.s32 $execute0_lowered;
	[smem:$0x3FD2] =	sst s25  }
0xa7: {  	s6 =	sshll.u32 s26, $0x1;
	_ =	strace $0x80000046;
	[dreg:$0x1] =	wrdreg $0xFFFFFFFF  }
0xa8: {  	s28 =	simm.s32 $_size_execute0_lowered;
	s4 =	sadd.s32 s4, s6;
	[dreg:$0x0] =	wrdreg $0x0  }
0xa9: {  	s6 =	sshll.u32 s28, $0x1;
	[dreg:$0x2] =	wrdreg s4  }
0xaa: {  	[dreg:$0x3] =	wrdreg s6  }
0xab: {  	[dreg:$0x4] =	wrdreg $0xC0  }
0xac: {  	_ =	task [dreg:s8], $0x5FFFF  }
0xad: {  	[dreg:$0x1] =	wrdreg $0xFFFFFFFF  }
0xae: {  	[dreg:$0x0] =	wrdreg $0x60  }
0xaf: {  	[dreg:$0x2] =	wrdreg s24  }
0xb0: {  	[dreg:$0x3] =	wrdreg s2  }
0xb1: {  	[dreg:$0x4] =	wrdreg s18  }
0xb2: {  	[dreg:$0x5] =	wrdreg $0x100000  }
0xb3: {  	[dreg:$0x6] =	wrdreg $0x9  }
0xb4: {  	_ =	task.clear_ibuf [dreg:s8], $0x7FFFF;
	_ =	strace $0x90000046  }
0xb5: {  	s29 =	simm.s32 $0x9;
	_ =	strace $0x80000048  }
0xb6: {  	_ =	swait.ge [sflag:s29], $0x1  }
0xb7: {  	[sflag:s29] =	ssyncadd.s32 $0xFFFFFFFF  }
0xb8: {  	_ =	strace $0x90000048  }
0xb9: {  	_ =	sfence  }
0xba: {  	s30 =	sld [smem:$0x0];
	_ =	sdelay $0x2  }
0xbb: {  	s31 =	sshll.u32 s1, $0xD;
	s1 =	sshrl.u32 s1, $0x2  }
0xbc: {  	s3 =	sand.u32 $0x4000, s31;
	s1 =	sadd.s32 s1, s30  }
0xbd: {  	s0 =	sor.u32 s3, s0;
	s1 =	sshll.u32 s1, $0x11  }
0xbe: {  	s0 =	sor.u32 s1, s0  }
0xbf: {  	s0 =	sadd.s32 $0x8F2B, s0  }
0xc0: {  	[sflag:s0] =	ssyncadd.remote.s32 $0x1  }
0xc1: {  	_ =	sfence.sel $0xFFFF  }
0xc2: {  	[dreg:$0x0] =	wrdreg $0xFFFFFFFF;
	(pc) =	sbr.abs _section_cstart, $3  }
0xc3: {  	[dreg:$0x1] =	wrdreg $0xFFFFFFFF  }
0xc4: {  	_ =	task.clear_ibuf [dreg:s8], $0x2FFFF;
	_ =	strace $0x9FFFFFFF  }
0xc5: {  	(tm) =	ssettm $0x7FFFFFFF  }
tec
execute0_lowered:
.L_overlay_start_1:
0x0: {  	(tag) =	ssettag $0x1  }
0x1: {  	s0 =	rddreg [dreg:$0x0]  }
0x2: {  	s1 =	rddreg [dreg:$0x1]  }
0x3: {  	s2 =	rddreg [dreg:$0x2]  }
0x4: {  	s9 =	rddreg [dreg:$0x3];
	s3 =	srdreg.scid  }
0x5: {  	s5 =	simm.s32 $0x0;
	s8 =	stileid.u32;
	s28 =	simm.s32 $0x5  }
0x6: {  	s29 =	simm.s32 $0xD;
	s30 =	simm.s32 $0x17000;
	s31 =	simm.s32 $0x6  }
0x7: {  	s3 =	sand.u32 $0x1, s3;
	[smem:$0x7FF] =	sst s5;
	s24 =	sshll.u32 s8, $0x9  }
0x8: {  	s4 =	sshll.u32 s8, $0x13;
	s17 =	sshll.u32 s8, $0x6;
	s0 =	sadd.s32 s24, s0  }
0x9: {  	s6 =	sshll.u32 s3, $0x12;
	_ =	strace $0x80000047;
	s0 =	sadd.s32 $0x800, s0  }
0xa: {  	s6 =	sor.u32 s6, s4;
	[dreg:$0xd] =	wrdreg s0;
	s0 =	sor.u32 $0x1C11, s17  }
0xb: {  	s16 =	sshll.u32 s8, $0xC;
	s18 =	sor.u32 $0x4000, s6;
	[dreg:$0xe] =	wrdreg s0  }
0xc: {  	s3 =	ssub.s32 $0x2, s3;
	s19 =	sor.u32 $0x4800, s6;
	[dreg:$0xf] =	wrdreg s18  }
0xd: {  	s25 =	sshrl.u32 s3, $0x1;
	s20 =	sor.u32 $0x5000, s6;
	[dreg:$0x10] =	wrdreg s19  }
0xe: {  	s4 =	sadd.s32 s16, s9;
	s21 =	sor.u32 $0x5800, s6;
	[dreg:$0x11] =	wrdreg s20  }
0xf: {  	s16 =	simm.s32 $0xB;
	s22 =	sor.u32 $0x6000, s6;
	[dreg:$0x12] =	wrdreg s21  }
0x10: {  	s9 =	simm.s32 $0x16800;
	s23 =	sor.u32 $0x6800, s6;
	[dreg:$0x13] =	wrdreg s22  }
0x11: {  	s7 =	sshrl.u32 s6, $0x3;
	s24 =	sor.u32 $0x7000, s6;
	[dreg:$0x14] =	wrdreg s23  }
0x12: {  	s3 =	ssub.s32 s3, s25;
	s7 =	sadd.s32 s1, s7;
	[dreg:$0x15] =	wrdreg s24  }
0x13: {  	s17 =	simm.s32 $0xF;
	s25 =	smax.u32 s3, $0x1;
	[dreg:$0x5] =	wrdreg s7  }
0x14: {  	s0 =	simm.s32 $0xE;
	s26 =	sadd.s32 $0x100, s7;
	[dreg:$0x16] =	wrdreg s25  }
0x15: {  	s3 =	simm.s32 $0x17800;
	s10 =	sadd.s32 $0x200, s7;
	[dreg:$0x6] =	wrdreg s26  }
0x16: {  	s18 =	simm.s32 $0x18000;
	s11 =	sadd.s32 $0x300, s7;
	[dreg:$0x7] =	wrdreg s10  }
0x17: {  	s19 =	simm.s32 $0x8;
	s12 =	sadd.s32 $0x400, s7;
	[dreg:$0x8] =	wrdreg s11  }
0x18: {  	s20 =	simm.s32 $0x10;
	s13 =	sadd.s32 $0x500, s7;
	[dreg:$0x9] =	wrdreg s12  }
0x19: {  	s21 =	simm.s32 $0x18800;
	s14 =	sadd.s32 $0x600, s7;
	[dreg:$0xa] =	wrdreg s13  }
.Ltmp0:
0x1a: {  	s15 =	sadd.s32 $0x700, s7;
	[dreg:$0xb] =	wrdreg s14;
	(pc) =	sbr.rel .LBB2_1-.Ltmp0, $4  }
0x1b: {  	s25 =	simm.s32 $0x4;
	s7 =	simm.s32 $0xC;
	[dreg:$0xc] =	wrdreg s15  }
0x1c: {  	s26 =	sshrl.u32 s4, $0x3;
	s10 =	simm.s32 $0x1;
	s12 =	simm.s32 $0x2  }
0x1d: {  	s13 =	simm.s32 $0xA;
	s15 =	simm.s32 $0x3;
	s4 =	simm.s32 $0x7  }
0x1e: {  	s11 =	simm.s32 $0x0;
	[dreg:$0x17] =	wrdreg s26;
	s26 =	sor.u32 $0x7800, s6  }
.LBB2_48:
0x1f: {  	s8 =	simm.s32 $0x9  }
0x20: {  	_ =	swait.ge [sflag:s8], $0x800  }
0x21: {  	[sflag:s8] =	ssyncset.done $0x0  }
0x22: {  	[sflag:s8] =	ssyncadd.s32 $0xFFFFF800  }
0x23: {  	_ =	swait.ge [sflag:s13], $0x800  }
0x24: {  	[sflag:s13] =	ssyncset.done $0x0  }
0x25: {  	[sflag:s13] =	ssyncadd.s32 $0xFFFFF800  }
0x26: {  	_ =	swait.ge [sflag:s16], $0x800  }
0x27: {  	[sflag:s16] =	ssyncset.done $0x0  }
0x28: {  	[sflag:s16] =	ssyncadd.s32 $0xFFFFF800  }
0x29: {  	_ =	swait.ge [sflag:s7], $0x800  }
0x2a: {  	[sflag:s7] =	ssyncset.done $0x0  }
0x2b: {  	[sflag:s7] =	ssyncadd.s32 $0xFFFFF800  }
0x2c: {  	_ =	swait.ge [sflag:s29], $0x800  }
0x2d: {  	[sflag:s29] =	ssyncset.done $0x0  }
0x2e: {  	[sflag:s29] =	ssyncadd.s32 $0xFFFFF800  }
0x2f: {  	_ =	swait.ge [sflag:s0], $0x800  }
0x30: {  	[sflag:s0] =	ssyncset.done $0x0  }
0x31: {  	[sflag:s0] =	ssyncadd.s32 $0xFFFFF800  }
0x32: {  	_ =	swait.ge [sflag:s17], $0x800  }
0x33: {  	[sflag:s17] =	ssyncset.done $0x0  }
0x34: {  	[sflag:s17] =	ssyncadd.s32 $0xFFFFF800  }
0x35: {  	_ =	swait.ge [sflag:s20], $0x800  }
0x36: {  	s11 =	rddreg [dreg:$0x18]  }
0x37: {  	s24 =	rddreg [dreg:$0x16];
	s11 =	sadd.s32 $0x1, s11  }
0x38: {  	p0 =	sne.s32 s11, s24  }
.Ltmp1:
0x39: {  	_ = 	snop;
	(pc) =	sbr.rel @!p0 .LBB2_49-.Ltmp1, $3  }
0x3a: {  	_ =	sdelay $0x1  }
0x3b: {  	[sflag:s20] =	ssyncset.done $0x0  }
0x3c: {  	[sflag:s20] =	ssyncadd.s32 $0xFFFFF800  }
.LBB2_1:
0x3d: {  	[dreg:$0x18] =	wrdreg s11  }
0x3e: {  	s8 =	rddreg [dreg:$0x5]  }
0x3f: {  	s23 =	rddreg [dreg:$0x6]  }
0x40: {  	s22 =	simm.s32 $0x11000;
	s14 =	rddreg [dreg:$0x7]  }
0x41: {  	[tilespmem:s22], [sflag:$0x1] =	stream.linear.gather [hbm4b:s8+s5], $0x800, $0x38;
	[tilespmem:$0x19000] =	vst v63  }
0x42: {  	s24 =	simm.s32 $0x11800;
	s11 =	rddreg [dreg:$0xd]  }
0x43: {  	[tilespmem:s24], [sflag:$0x2] =	stream.linear.gather [hbm4b:s23+s5], $0x800, $0x38;
	[tilespmem:$0x19000] =	vst v63  }
0x44: {  	s22 =	simm.s32 $0x12000;
	s23 =	rddreg [dreg:$0x8]  }
0x45: {  	[tilespmem:s22], [sflag:$0x3] =	stream.linear.gather [hbm4b:s14+s5], $0x800, $0x38;
	[tilespmem:$0x19000] =	vst v63  }
0x46: {  	s24 =	simm.s32 $0x12800;
	s14 =	rddreg [dreg:$0x9]  }
0x47: {  	[tilespmem:s24], [sflag:$0x4] =	stream.linear.gather [hbm4b:s23+s5], $0x800, $0x38;
	[tilespmem:$0x19000] =	vst v63  }
0x48: {  	s22 =	simm.s32 $0x13000;
	s23 =	rddreg [dreg:$0xa]  }
0x49: {  	[tilespmem:s22], [sflag:$0x5] =	stream.linear.gather [hbm4b:s14+s5], $0x800, $0x38;
	[tilespmem:$0x19000] =	vst v63  }
0x4a: {  	s24 =	simm.s32 $0x13800;
	s14 =	rddreg [dreg:$0xb]  }
0x4b: {  	[tilespmem:s24], [sflag:$0x6] =	stream.linear.gather [hbm4b:s23+s5], $0x800, $0x38;
	[tilespmem:$0x19000] =	vst v63  }
0x4c: {  	s22 =	simm.s32 $0x14000;
	s23 =	rddreg [dreg:$0xc]  }
0x4d: {  	[tilespmem:s22], [sflag:$0x7] =	stream.linear.gather [hbm4b:s14+s5], $0x800, $0x38;
	[tilespmem:$0x19000] =	vst v63  }
0x4e: {  	s24 =	simm.s32 $0x14800;
	s22 =	rddreg [dreg:$0xe]  }
0x4f: {  	[tilespmem:s24], [sflag:$0x8] =	stream.linear.gather [hbm4b:s23+s5], $0x800, $0x38;
	[tilespmem:$0x19000] =	vst v63  }
0x50: {  	s14 =	rddreg [dreg:$0x17];
	s23 =	simm.s32 $0x11  }
0x51: {  	[spmem:s14], [sflag:s22] =	dma.local [hbm:s11], $0x200  }
0x52: {  	_ =	swait.ge [sflag:s23], $0x200  }
0x53: {  	[sflag:s23] =	ssyncset.done $0x0  }
0x54: {  	[sflag:s23] =	ssyncadd.s32 $0xFFFFFE00  }
0x55: {  	[bflag:$0x0] =	sbarrier.arrive $0xFFFF  }
0x56: {  	s24 =	rddreg [dreg:$0x3]  }
0x57: {  	[tilespmem:s5], [sflag:$0x11] =	stream.linear.gather [spmem:s24], $0x10000, $0x38;
	[tilespmem:$0x19000] =	vst v63  }
0x58: {  	_ =	swait.ge [sflag:s23], $0x10000  }
0x59: {  	[sflag:s23] =	ssyncset.done $0x0  }
0x5a: {  	s22 =	simm.s32 $0x0;
	[sflag:s23] =	ssyncadd.s32 $0xFFFF0000  }
.LBB2_2:
0x5b: {  	_ =	swait.ge [sflag:s10], $0x800  }
0x5c: {  	p0 =	seq.s32 s22, $0x0;
	[sflag:s10] =	ssyncset.done $0x0  }
0x5d: {  	s8 =	simm.s32 @!p0 $0x9;
	[sflag:s10] =	ssyncadd.s32 $0xFFFFF800  }
0x5e: {  	_ =	swait.ge @!p0 [sflag:s8], $0x800  }
0x5f: {  	[sflag:s8] =	ssyncset.done @!p0 $0x0  }
0x60: {  	[sflag:s8] =	ssyncadd.s32 @!p0 $0xFFFFF800;
	s8 =	simm.s32 $0x0  }
0x61: {  	v0 =	vld [tilespmem:s8+$0x11000]  }
0x62: {  	v1 =	vld [tilespmem:s8+$0x11070]  }
0x63: {  	v2 =	vld [tilespmem:s8+$0x11010]  }
0x64: {  	v3 =	vld [tilespmem:s8+$0x11020]  }
0x65: {  	v4 =	vld [tilespmem:s8+$0x11030]  }
0x66: {  	v7 =	vld [tilespmem:s8+$0x11040]  }
0x67: {  	v8 =	vld [tilespmem:s8+$0x11050]  }
0x68: {  	v9 =	vld [tilespmem:s8+$0x11060]  }
0x69: {  	v10 =	vld.idx.msk [tilespmem:v0+s5+$0x0], $0xffff  }
0x6a: {  	v1 =	vld.idx.msk [tilespmem:v1+s5+$0x0], $0xffff  }
0x6b: {  	v6 =	vld.idx.msk [tilespmem:v2+s5+$0x0], $0xffff  }
0x6c: {  	v5 =	vld.idx.msk [tilespmem:v3+s5+$0x0], $0xffff  }
0x6d: {  	v4 =	vld.idx.msk [tilespmem:v4+s5+$0x0], $0xffff  }
0x6e: {  	v3 =	vld.idx.msk [tilespmem:v7+s5+$0x0], $0xffff  }
0x6f: {  	v2 =	vld.idx.msk [tilespmem:v8+s5+$0x0], $0xffff  }
0x70: {  	s14 =	simm.s32 $0x80;
	s23 =	sshll.u32 s22, $0xE;
	v0 =	vld.idx.msk [tilespmem:v9+s5+$0x0], $0xffff;
	[tilespmem:s8+$0x15070] =	vst v1  }
0x71: {  	s24 =	simm.s32 $0x400;
	s11 =	sor.u32 s6, s23;
	v1 =	vld [tilespmem:s14+$0x11000];
	[tilespmem:s8+$0x15000] =	vst v10  }
.LBB2_3:
0x72: {  	p1 =	sne.s32 s24, $0x1E00;
	v7 =	vld [tilespmem:s14+$0x11070];
	[tilespmem:s8+$0x15010] =	vst v6  }
0x73: {  	v6 =	vld [tilespmem:s14+$0x11010];
	[tilespmem:s8+$0x15020] =	vst v5  }
0x74: {  	v5 =	vld [tilespmem:s14+$0x11020];
	[tilespmem:s8+$0x15030] =	vst v4  }
0x75: {  	v4 =	vld [tilespmem:s14+$0x11030];
	[tilespmem:s8+$0x15040] =	vst v3  }
0x76: {  	v3 =	vld [tilespmem:s14+$0x11040];
	[tilespmem:s8+$0x15050] =	vst v2  }
0x77: {  	v2 =	vld [tilespmem:s14+$0x11050];
	[tilespmem:s8+$0x15060] =	vst v0;
	s8 =	smov.u32 s14  }
0x78: {  	v0 =	vld [tilespmem:s8+$0x11060]  }
0x79: {  	v8 =	vld.idx.msk [tilespmem:v1+s5+$0x0], $0xffff  }
0x7a: {  	v1 =	vld.idx.msk [tilespmem:v7+s5+$0x0], $0xffff  }
0x7b: {  	v6 =	vld.idx.msk [tilespmem:v6+s5+$0x0], $0xffff  }
0x7c: {  	v5 =	vld.idx.msk [tilespmem:v5+s5+$0x0], $0xffff  }
.Ltmp2:
0x7d: {  	v4 =	vld.idx.msk [tilespmem:v4+s5+$0x0], $0xffff;
	(pc) =	sbr.rel @p1 .LBB2_3-.Ltmp2, $4  }
0x7e: {  	v3 =	vld.idx.msk [tilespmem:v3+s5+$0x0], $0xffff  }
0x7f: {  	v2 =	vld.idx.msk [tilespmem:v2+s5+$0x0], $0xffff  }
0x80: {  	s14 =	sshra.s32 s24, $0x2;
	v0 =	vld.idx.msk [tilespmem:v0+s5+$0x0], $0xffff;
	[tilespmem:s8+$0x15070] =	vst v1  }
0x81: {  	s24 =	sadd.s32 $0x200, s24;
	v1 =	vld [tilespmem:s14+$0x11000];
	[tilespmem:s8+$0x15000] =	vst v8  }
0x82: {  	_ = 	snop  }
0x83: {  	v7 =	vld [tilespmem:s14+$0x11070];
	[tilespmem:s8+$0x15010] =	vst v6  }
0x84: {  	v6 =	vld [tilespmem:s14+$0x11010];
	[tilespmem:s8+$0x15020] =	vst v5  }
0x85: {  	v5 =	vld [tilespmem:s14+$0x11020];
	[tilespmem:s8+$0x15030] =	vst v4  }
0x86: {  	v4 =	vld [tilespmem:s14+$0x11030];
	[tilespmem:s8+$0x15040] =	vst v3  }
0x87: {  	v3 =	vld [tilespmem:s14+$0x11040];
	[tilespmem:s8+$0x15050] =	vst v2  }
0x88: {  	v2 =	vld [tilespmem:s14+$0x11050];
	[tilespmem:s8+$0x15060] =	vst v0  }
0x89: {  	v0 =	vld [tilespmem:s14+$0x11060]  }
0x8a: {  	v1 =	vld.idx.msk [tilespmem:v1+s5+$0x0], $0xffff  }
0x8b: {  	v7 =	vld.idx.msk [tilespmem:v7+s5+$0x0], $0xffff  }
0x8c: {  	v6 =	vld.idx.msk [tilespmem:v6+s5+$0x0], $0xffff  }
0x8d: {  	v5 =	vld.idx.msk [tilespmem:v5+s5+$0x0], $0xffff  }
0x8e: {  	v4 =	vld.idx.msk [tilespmem:v4+s5+$0x0], $0xffff  }
0x8f: {  	v3 =	vld.idx.msk [tilespmem:v3+s5+$0x0], $0xffff  }
0x90: {  	v2 =	vld.idx.msk [tilespmem:v2+s5+$0x0], $0xffff  }
0x91: {  	v0 =	vld.idx.msk [tilespmem:v0+s5+$0x0], $0xffff;
	[tilespmem:s14+$0x15070] =	vst v7  }
0x92: {  	[tilespmem:s14+$0x15000] =	vst v1  }
0x93: {  	[tilespmem:s14+$0x15010] =	vst v6  }
0x94: {  	p1 =	sne.s32 s22, $0xF;
	[tilespmem:s14+$0x15020] =	vst v5  }
.Ltmp3:
0x95: {  	[tilespmem:s14+$0x15030] =	vst v4;
	(pc) =	sbr.rel @p1 .LBB2_6-.Ltmp3, $4  }
0x96: {  	[tilespmem:s14+$0x15040] =	vst v3  }
0x97: {  	s8 =	sshrl.u32 s11, $0x3;
	[tilespmem:s14+$0x15050] =	vst v2  }
0x98: {  	s24 =	simm.s32 $0x15000;
	s11 =	sadd.s32 s2, s8;
	[tilespmem:s14+$0x15060] =	vst v0  }
0x99: {  	[hbm4b:s11+s5] =	stream.linear.scatter [tilespmem:s24], [sflag:$0x9], $0x800, $0x38;
	[tilespmem:$0x19000] =	vst v63  }
.Ltmp4:
0x9a: {  	(pc) =	sbr.rel .LBB2_7-.Ltmp4, $4  }
0x9b: {  	_ = 	snop  }
0x9c: {  	_ =	swait.ge [sflag:s12], $0x800  }
0x9d: {  	[sflag:s12] =	ssyncset.done $0x0  }
0x9e: {  	[sflag:s12] =	ssyncadd.s32 $0xFFFFF800  }
.LBB2_6:
0x9f: {  	s11 =	rddreg [dreg:$0xf]  }
0xa0: {  	s11 =	sadd.s32 s23, s11  }
0xa1: {  	s11 =	sshrl.u32 s11, $0x3  }
.Ltmp5:
0xa2: {  	s14 =	simm.s32 $0x11000;
	s11 =	sadd.s32 s1, s11;
	(pc) =	sbr.rel @p0 .LBB2_8-.Ltmp5, $4  }
0xa3: {  	[tilespmem:s14], [sflag:$0x1] =	stream.linear.gather [hbm4b:s11+s5], $0x800, $0x38;
	[tilespmem:$0x19000] =	vst v63  }
0xa4: {  	_ =	swait.ge [sflag:s12], $0x800  }
0xa5: {  	[sflag:s12] =	ssyncset.done $0x0  }
0xa6: {  	[sflag:s12] =	ssyncadd.s32 $0xFFFFF800  }
.LBB2_7:
0xa7: {  	_ =	swait.ge [sflag:s13], $0x800  }
0xa8: {  	[sflag:s13] =	ssyncset.done $0x0  }
0xa9: {  	[sflag:s13] =	ssyncadd.s32 $0xFFFFF800  }
.LBB2_8:
0xaa: {  	s11 =	simm.s32 $0x0  }
0xab: {  	v0 =	vld [tilespmem:s11+$0x11800]  }
0xac: {  	v1 =	vld [tilespmem:s11+$0x11870]  }
0xad: {  	v2 =	vld [tilespmem:s11+$0x11810]  }
0xae: {  	v3 =	vld [tilespmem:s11+$0x11820]  }
0xaf: {  	v4 =	vld [tilespmem:s11+$0x11830]  }
0xb0: {  	v7 =	vld [tilespmem:s11+$0x11840]  }
0xb1: {  	v8 =	vld [tilespmem:s11+$0x11850]  }
0xb2: {  	v9 =	vld [tilespmem:s11+$0x11860]  }
0xb3: {  	v10 =	vld.idx.msk [tilespmem:v0+s5+$0x0], $0xffff  }
0xb4: {  	v0 =	vld.idx.msk [tilespmem:v1+s5+$0x0], $0xffff  }
0xb5: {  	v6 =	vld.idx.msk [tilespmem:v2+s5+$0x0], $0xffff  }
0xb6: {  	v5 =	vld.idx.msk [tilespmem:v3+s5+$0x0], $0xffff  }
0xb7: {  	v4 =	vld.idx.msk [tilespmem:v4+s5+$0x0], $0xffff  }
0xb8: {  	v3 =	vld.idx.msk [tilespmem:v7+s5+$0x0], $0xffff  }
0xb9: {  	v2 =	vld.idx.msk [tilespmem:v8+s5+$0x0], $0xffff  }
0xba: {  	s14 =	simm.s32 $0x80;
	v1 =	vld.idx.msk [tilespmem:v9+s5+$0x0], $0xffff;
	[tilespmem:s11+$0x15870] =	vst v0  }
0xbb: {  	s24 =	simm.s32 $0x400;
	v0 =	vld [tilespmem:s14+$0x11800];
	[tilespmem:s11+$0x15800] =	vst v10  }
.LBB2_9:
0xbc: {  	p2 =	sne.s32 s24, $0x1E00;
	v7 =	vld [tilespmem:s14+$0x11870];
	[tilespmem:s11+$0x15810] =	vst v6  }
0xbd: {  	v6 =	vld [tilespmem:s14+$0x11810];
	[tilespmem:s11+$0x15820] =	vst v5  }
0xbe: {  	v5 =	vld [tilespmem:s14+$0x11820];
	[tilespmem:s11+$0x15830] =	vst v4  }
0xbf: {  	v4 =	vld [tilespmem:s14+$0x11830];
	[tilespmem:s11+$0x15840] =	vst v3  }
0xc0: {  	v3 =	vld [tilespmem:s14+$0x11840];
	[tilespmem:s11+$0x15850] =	vst v2  }
0xc1: {  	v2 =	vld [tilespmem:s14+$0x11850];
	[tilespmem:s11+$0x15860] =	vst v1;
	s11 =	smov.u32 s14  }
0xc2: {  	v1 =	vld [tilespmem:s11+$0x11860]  }
0xc3: {  	v8 =	vld.idx.msk [tilespmem:v0+s5+$0x0], $0xffff  }
0xc4: {  	v0 =	vld.idx.msk [tilespmem:v7+s5+$0x0], $0xffff  }
0xc5: {  	v6 =	vld.idx.msk [tilespmem:v6+s5+$0x0], $0xffff  }
0xc6: {  	v5 =	vld.idx.msk [tilespmem:v5+s5+$0x0], $0xffff  }
.Ltmp6:
0xc7: {  	v4 =	vld.idx.msk [tilespmem:v4+s5+$0x0], $0xffff;
	(pc) =	sbr.rel @p2 .LBB2_9-.Ltmp6, $4  }
0xc8: {  	v3 =	vld.idx.msk [tilespmem:v3+s5+$0x0], $0xffff  }
0xc9: {  	v2 =	vld.idx.msk [tilespmem:v2+s5+$0x0], $0xffff  }
0xca: {  	s14 =	sshra.s32 s24, $0x2;
	v1 =	vld.idx.msk [tilespmem:v1+s5+$0x0], $0xffff;
	[tilespmem:s11+$0x15870] =	vst v0  }
0xcb: {  	s24 =	sadd.s32 $0x200, s24;
	v0 =	vld [tilespmem:s14+$0x11800];
	[tilespmem:s11+$0x15800] =	vst v8  }
0xcc: {  	_ = 	snop  }
0xcd: {  	v7 =	vld [tilespmem:s14+$0x11870];
	[tilespmem:s11+$0x15810] =	vst v6  }
0xce: {  	v6 =	vld [tilespmem:s14+$0x11810];
	[tilespmem:s11+$0x15820] =	vst v5  }
0xcf: {  	v5 =	vld [tilespmem:s14+$0x11820];
	[tilespmem:s11+$0x15830] =	vst v4  }
0xd0: {  	v4 =	vld [tilespmem:s14+$0x11830];
	[tilespmem:s11+$0x15840] =	vst v3  }
0xd1: {  	v3 =	vld [tilespmem:s14+$0x11840];
	[tilespmem:s11+$0x15850] =	vst v2  }
0xd2: {  	v2 =	vld [tilespmem:s14+$0x11850];
	[tilespmem:s11+$0x15860] =	vst v1  }
0xd3: {  	v1 =	vld [tilespmem:s14+$0x11860]  }
0xd4: {  	v0 =	vld.idx.msk [tilespmem:v0+s5+$0x0], $0xffff  }
0xd5: {  	v7 =	vld.idx.msk [tilespmem:v7+s5+$0x0], $0xffff  }
0xd6: {  	v6 =	vld.idx.msk [tilespmem:v6+s5+$0x0], $0xffff  }
0xd7: {  	v5 =	vld.idx.msk [tilespmem:v5+s5+$0x0], $0xffff  }
0xd8: {  	v4 =	vld.idx.msk [tilespmem:v4+s5+$0x0], $0xffff  }
0xd9: {  	v3 =	vld.idx.msk [tilespmem:v3+s5+$0x0], $0xffff  }
0xda: {  	v2 =	vld.idx.msk [tilespmem:v2+s5+$0x0], $0xffff  }
0xdb: {  	v1 =	vld.idx.msk [tilespmem:v1+s5+$0x0], $0xffff;
	[tilespmem:s14+$0x15870] =	vst v7  }
0xdc: {  	[tilespmem:s14+$0x15800] =	vst v0  }
0xdd: {  	[tilespmem:s14+$0x15810] =	vst v6  }
0xde: {  	[tilespmem:s14+$0x15820] =	vst v5  }
.Ltmp7:
0xdf: {  	[tilespmem:s14+$0x15830] =	vst v4;
	(pc) =	sbr.rel @p1 .LBB2_12-.Ltmp7, $4  }
0xe0: {  	[tilespmem:s14+$0x15840] =	vst v3  }
0xe1: {  	s8 =	sadd.s32 s8, s2;
	[tilespmem:s14+$0x15850] =	vst v2  }
0xe2: {  	s24 =	simm.s32 $0x15800;
	[tilespmem:s14+$0x15860] =	vst v1;
	s14 =	sadd.s32 $0x100, s8  }
0xe3: {  	[hbm4b:s14+s5] =	stream.linear.scatter [tilespmem:s24], [sflag:$0xA], $0x800, $0x38;
	[tilespmem:$0x19000] =	vst v63  }
.Ltmp8:
0xe4: {  	(pc) =	sbr.rel .LBB2_13-.Ltmp8, $4  }
0xe5: {  	_ = 	snop  }
0xe6: {  	_ =	swait.ge [sflag:s15], $0x800  }
0xe7: {  	[sflag:s15] =	ssyncset.done $0x0  }
0xe8: {  	[sflag:s15] =	ssyncadd.s32 $0xFFFFF800  }
.LBB2_12:
0xe9: {  	s11 =	rddreg [dreg:$0x10]  }
0xea: {  	s11 =	sadd.s32 s23, s11  }
0xeb: {  	s11 =	sshrl.u32 s11, $0x3  }
.Ltmp9:
0xec: {  	s14 =	simm.s32 $0x11800;
	s11 =	sadd.s32 s1, s11;
	(pc) =	sbr.rel @p0 .LBB2_14-.Ltmp9, $4  }
0xed: {  	[tilespmem:s14], [sflag:$0x2] =	stream.linear.gather [hbm4b:s11+s5], $0x800, $0x38;
	[tilespmem:$0x19000] =	vst v63  }
0xee: {  	_ =	swait.ge [sflag:s15], $0x800  }
0xef: {  	[sflag:s15] =	ssyncset.done $0x0  }
0xf0: {  	[sflag:s15] =	ssyncadd.s32 $0xFFFFF800  }
.LBB2_13:
0xf1: {  	_ =	swait.ge [sflag:s16], $0x800  }
0xf2: {  	[sflag:s16] =	ssyncset.done $0x0  }
0xf3: {  	[sflag:s16] =	ssyncadd.s32 $0xFFFFF800  }
.LBB2_14:
0xf4: {  	s11 =	simm.s32 $0x0  }
0xf5: {  	v0 =	vld [tilespmem:s11+$0x12000]  }
0xf6: {  	v1 =	vld [tilespmem:s11+$0x12070]  }
0xf7: {  	v2 =	vld [tilespmem:s11+$0x12010]  }
0xf8: {  	v3 =	vld [tilespmem:s11+$0x12020]  }
0xf9: {  	v4 =	vld [tilespmem:s11+$0x12030]  }
0xfa: {  	v7 =	vld [tilespmem:s11+$0x12040]  }
0xfb: {  	v8 =	vld [tilespmem:s11+$0x12050]  }
0xfc: {  	v9 =	vld [tilespmem:s11+$0x12060]  }
0xfd: {  	v10 =	vld.idx.msk [tilespmem:v0+s5+$0x0], $0xffff  }
0xfe: {  	v0 =	vld.idx.msk [tilespmem:v1+s5+$0x0], $0xffff  }
0xff: {  	v6 =	vld.idx.msk [tilespmem:v2+s5+$0x0], $0xffff  }
0x100: {  	v5 =	vld.idx.msk [tilespmem:v3+s5+$0x0], $0xffff  }
0x101: {  	v4 =	vld.idx.msk [tilespmem:v4+s5+$0x0], $0xffff  }
0x102: {  	v3 =	vld.idx.msk [tilespmem:v7+s5+$0x0], $0xffff  }
0x103: {  	v2 =	vld.idx.msk [tilespmem:v8+s5+$0x0], $0xffff  }
0x104: {  	s14 =	simm.s32 $0x80;
	v1 =	vld.idx.msk [tilespmem:v9+s5+$0x0], $0xffff;
	[tilespmem:s11+$0x16070] =	vst v0  }
0x105: {  	s24 =	simm.s32 $0x400;
	v0 =	vld [tilespmem:s14+$0x12000];
	[tilespmem:s11+$0x16000] =	vst v10  }
.LBB2_15:
0x106: {  	p2 =	sne.s32 s24, $0x1E00;
	v7 =	vld [tilespmem:s14+$0x12070];
	[tilespmem:s11+$0x16010] =	vst v6  }
0x107: {  	v6 =	vld [tilespmem:s14+$0x12010];
	[tilespmem:s11+$0x16020] =	vst v5  }
0x108: {  	v5 =	vld [tilespmem:s14+$0x12020];
	[tilespmem:s11+$0x16030] =	vst v4  }
0x109: {  	v4 =	vld [tilespmem:s14+$0x12030];
	[tilespmem:s11+$0x16040] =	vst v3  }
0x10a: {  	v3 =	vld [tilespmem:s14+$0x12040];
	[tilespmem:s11+$0x16050] =	vst v2  }
0x10b: {  	v2 =	vld [tilespmem:s14+$0x12050];
	[tilespmem:s11+$0x16060] =	vst v1;
	s11 =	smov.u32 s14  }
0x10c: {  	v1 =	vld [tilespmem:s11+$0x12060]  }
0x10d: {  	v8 =	vld.idx.msk [tilespmem:v0+s5+$0x0], $0xffff  }
0x10e: {  	v0 =	vld.idx.msk [tilespmem:v7+s5+$0x0], $0xffff  }
0x10f: {  	v6 =	vld.idx.msk [tilespmem:v6+s5+$0x0], $0xffff  }
0x110: {  	v5 =	vld.idx.msk [tilespmem:v5+s5+$0x0], $0xffff  }
.Ltmp10:
0x111: {  	v4 =	vld.idx.msk [tilespmem:v4+s5+$0x0], $0xffff;
	(pc) =	sbr.rel @p2 .LBB2_15-.Ltmp10, $4  }
0x112: {  	v3 =	vld.idx.msk [tilespmem:v3+s5+$0x0], $0xffff  }
0x113: {  	v2 =	vld.idx.msk [tilespmem:v2+s5+$0x0], $0xffff  }
0x114: {  	s14 =	sshra.s32 s24, $0x2;
	v1 =	vld.idx.msk [tilespmem:v1+s5+$0x0], $0xffff;
	[tilespmem:s11+$0x16070] =	vst v0  }
0x115: {  	s24 =	sadd.s32 $0x200, s24;
	v0 =	vld [tilespmem:s14+$0x12000];
	[tilespmem:s11+$0x16000] =	vst v8  }
0x116: {  	_ = 	snop  }
0x117: {  	v7 =	vld [tilespmem:s14+$0x12070];
	[tilespmem:s11+$0x16010] =	vst v6  }
0x118: {  	v6 =	vld [tilespmem:s14+$0x12010];
	[tilespmem:s11+$0x16020] =	vst v5  }
0x119: {  	v5 =	vld [tilespmem:s14+$0x12020];
	[tilespmem:s11+$0x16030] =	vst v4  }
0x11a: {  	v4 =	vld [tilespmem:s14+$0x12030];
	[tilespmem:s11+$0x16040] =	vst v3  }
0x11b: {  	v3 =	vld [tilespmem:s14+$0x12040];
	[tilespmem:s11+$0x16050] =	vst v2  }
0x11c: {  	v2 =	vld [tilespmem:s14+$0x12050];
	[tilespmem:s11+$0x16060] =	vst v1  }
0x11d: {  	v1 =	vld [tilespmem:s14+$0x12060]  }
0x11e: {  	v0 =	vld.idx.msk [tilespmem:v0+s5+$0x0], $0xffff  }
0x11f: {  	v7 =	vld.idx.msk [tilespmem:v7+s5+$0x0], $0xffff  }
0x120: {  	v6 =	vld.idx.msk [tilespmem:v6+s5+$0x0], $0xffff  }
0x121: {  	v5 =	vld.idx.msk [tilespmem:v5+s5+$0x0], $0xffff  }
0x122: {  	v4 =	vld.idx.msk [tilespmem:v4+s5+$0x0], $0xffff  }
0x123: {  	v3 =	vld.idx.msk [tilespmem:v3+s5+$0x0], $0xffff  }
0x124: {  	v2 =	vld.idx.msk [tilespmem:v2+s5+$0x0], $0xffff  }
0x125: {  	v1 =	vld.idx.msk [tilespmem:v1+s5+$0x0], $0xffff;
	[tilespmem:s14+$0x16070] =	vst v7  }
0x126: {  	[tilespmem:s14+$0x16000] =	vst v0  }
0x127: {  	[tilespmem:s14+$0x16010] =	vst v6  }
0x128: {  	[tilespmem:s14+$0x16020] =	vst v5  }
.Ltmp11:
0x129: {  	[tilespmem:s14+$0x16030] =	vst v4;
	(pc) =	sbr.rel @p1 .LBB2_18-.Ltmp11, $4  }
0x12a: {  	[tilespmem:s14+$0x16040] =	vst v3  }
0x12b: {  	[tilespmem:s14+$0x16050] =	vst v2  }
0x12c: {  	s24 =	simm.s32 $0x16000;
	[tilespmem:s14+$0x16060] =	vst v1;
	s14 =	sadd.s32 $0x200, s8  }
0x12d: {  	[hbm4b:s14+s5] =	stream.linear.scatter [tilespmem:s24], [sflag:$0xB], $0x800, $0x38;
	[tilespmem:$0x19000] =	vst v63  }
.Ltmp12:
0x12e: {  	(pc) =	sbr.rel .LBB2_19-.Ltmp12, $4  }
0x12f: {  	_ = 	snop  }
0x130: {  	_ =	swait.ge [sflag:s25], $0x800  }
0x131: {  	[sflag:s25] =	ssyncset.done $0x0  }
0x132: {  	[sflag:s25] =	ssyncadd.s32 $0xFFFFF800  }
.LBB2_18:
0x133: {  	s11 =	rddreg [dreg:$0x11]  }
0x134: {  	s11 =	sadd.s32 s23, s11  }
0x135: {  	s11 =	sshrl.u32 s11, $0x3  }
.Ltmp13:
0x136: {  	s14 =	simm.s32 $0x12000;
	s11 =	sadd.s32 s1, s11;
	(pc) =	sbr.rel @p0 .LBB2_20-.Ltmp13, $4  }
0x137: {  	[tilespmem:s14], [sflag:$0x3] =	stream.linear.gather [hbm4b:s11+s5], $0x800, $0x38;
	[tilespmem:$0x19000] =	vst v63  }
0x138: {  	_ =	swait.ge [sflag:s25], $0x800  }
0x139: {  	[sflag:s25] =	ssyncset.done $0x0  }
0x13a: {  	[sflag:s25] =	ssyncadd.s32 $0xFFFFF800  }
.LBB2_19:
0x13b: {  	_ =	swait.ge [sflag:s7], $0x800  }
0x13c: {  	[sflag:s7] =	ssyncset.done $0x0  }
0x13d: {  	[sflag:s7] =	ssyncadd.s32 $0xFFFFF800  }
.LBB2_20:
0x13e: {  	s11 =	simm.s32 $0x0  }
0x13f: {  	v0 =	vld [tilespmem:s11+$0x12800]  }
0x140: {  	v1 =	vld [tilespmem:s11+$0x12870]  }
0x141: {  	v2 =	vld [tilespmem:s11+$0x12810]  }
0x142: {  	v3 =	vld [tilespmem:s11+$0x12820]  }
0x143: {  	v4 =	vld [tilespmem:s11+$0x12830]  }
0x144: {  	v7 =	vld [tilespmem:s11+$0x12840]  }
0x145: {  	v8 =	vld [tilespmem:s11+$0x12850]  }
0x146: {  	v9 =	vld [tilespmem:s11+$0x12860]  }
0x147: {  	v10 =	vld.idx.msk [tilespmem:v0+s5+$0x0], $0xffff  }
0x148: {  	v0 =	vld.idx.msk [tilespmem:v1+s5+$0x0], $0xffff  }
0x149: {  	v6 =	vld.idx.msk [tilespmem:v2+s5+$0x0], $0xffff  }
0x14a: {  	v5 =	vld.idx.msk [tilespmem:v3+s5+$0x0], $0xffff  }
0x14b: {  	v4 =	vld.idx.msk [tilespmem:v4+s5+$0x0], $0xffff  }
0x14c: {  	v3 =	vld.idx.msk [tilespmem:v7+s5+$0x0], $0xffff  }
0x14d: {  	v2 =	vld.idx.msk [tilespmem:v8+s5+$0x0], $0xffff  }
0x14e: {  	s14 =	simm.s32 $0x80;
	v1 =	vld.idx.msk [tilespmem:v9+s5+$0x0], $0xffff;
	[tilespmem:s11+$0x16870] =	vst v0  }
0x14f: {  	s24 =	simm.s32 $0x400;
	v0 =	vld [tilespmem:s14+$0x12800];
	[tilespmem:s11+$0x16800] =	vst v10  }
.LBB2_21:
0x150: {  	p2 =	sne.s32 s24, $0x1E00;
	v7 =	vld [tilespmem:s14+$0x12870];
	[tilespmem:s11+$0x16810] =	vst v6  }
0x151: {  	v6 =	vld [tilespmem:s14+$0x12810];
	[tilespmem:s11+$0x16820] =	vst v5  }
0x152: {  	v5 =	vld [tilespmem:s14+$0x12820];
	[tilespmem:s11+$0x16830] =	vst v4  }
0x153: {  	v4 =	vld [tilespmem:s14+$0x12830];
	[tilespmem:s11+$0x16840] =	vst v3  }
0x154: {  	v3 =	vld [tilespmem:s14+$0x12840];
	[tilespmem:s11+$0x16850] =	vst v2  }
0x155: {  	v2 =	vld [tilespmem:s14+$0x12850];
	[tilespmem:s11+$0x16860] =	vst v1;
	s11 =	smov.u32 s14  }
0x156: {  	v1 =	vld [tilespmem:s11+$0x12860]  }
0x157: {  	v8 =	vld.idx.msk [tilespmem:v0+s5+$0x0], $0xffff  }
0x158: {  	v0 =	vld.idx.msk [tilespmem:v7+s5+$0x0], $0xffff  }
0x159: {  	v6 =	vld.idx.msk [tilespmem:v6+s5+$0x0], $0xffff  }
0x15a: {  	v5 =	vld.idx.msk [tilespmem:v5+s5+$0x0], $0xffff  }
.Ltmp14:
0x15b: {  	v4 =	vld.idx.msk [tilespmem:v4+s5+$0x0], $0xffff;
	(pc) =	sbr.rel @p2 .LBB2_21-.Ltmp14, $4  }
0x15c: {  	v3 =	vld.idx.msk [tilespmem:v3+s5+$0x0], $0xffff  }
0x15d: {  	v2 =	vld.idx.msk [tilespmem:v2+s5+$0x0], $0xffff  }
0x15e: {  	s14 =	sshra.s32 s24, $0x2;
	v1 =	vld.idx.msk [tilespmem:v1+s5+$0x0], $0xffff;
	[tilespmem:s11+$0x16870] =	vst v0  }
0x15f: {  	s24 =	sadd.s32 $0x200, s24;
	v0 =	vld [tilespmem:s14+$0x12800];
	[tilespmem:s11+$0x16800] =	vst v8  }
0x160: {  	_ = 	snop  }
0x161: {  	v7 =	vld [tilespmem:s14+$0x12870];
	[tilespmem:s11+$0x16810] =	vst v6  }
0x162: {  	v6 =	vld [tilespmem:s14+$0x12810];
	[tilespmem:s11+$0x16820] =	vst v5  }
0x163: {  	v5 =	vld [tilespmem:s14+$0x12820];
	[tilespmem:s11+$0x16830] =	vst v4  }
0x164: {  	v4 =	vld [tilespmem:s14+$0x12830];
	[tilespmem:s11+$0x16840] =	vst v3  }
0x165: {  	v3 =	vld [tilespmem:s14+$0x12840];
	[tilespmem:s11+$0x16850] =	vst v2  }
0x166: {  	v2 =	vld [tilespmem:s14+$0x12850];
	[tilespmem:s11+$0x16860] =	vst v1  }
0x167: {  	v1 =	vld [tilespmem:s14+$0x12860]  }
0x168: {  	v0 =	vld.idx.msk [tilespmem:v0+s5+$0x0], $0xffff  }
0x169: {  	v7 =	vld.idx.msk [tilespmem:v7+s5+$0x0], $0xffff  }
0x16a: {  	v6 =	vld.idx.msk [tilespmem:v6+s5+$0x0], $0xffff  }
0x16b: {  	v5 =	vld.idx.msk [tilespmem:v5+s5+$0x0], $0xffff  }
0x16c: {  	v4 =	vld.idx.msk [tilespmem:v4+s5+$0x0], $0xffff  }
0x16d: {  	v3 =	vld.idx.msk [tilespmem:v3+s5+$0x0], $0xffff  }
0x16e: {  	v2 =	vld.idx.msk [tilespmem:v2+s5+$0x0], $0xffff  }
0x16f: {  	v1 =	vld.idx.msk [tilespmem:v1+s5+$0x0], $0xffff;
	[tilespmem:s14+$0x16870] =	vst v7  }
0x170: {  	[tilespmem:s14+$0x16800] =	vst v0  }
0x171: {  	[tilespmem:s14+$0x16810] =	vst v6  }
0x172: {  	[tilespmem:s14+$0x16820] =	vst v5  }
.Ltmp15:
0x173: {  	[tilespmem:s14+$0x16830] =	vst v4;
	(pc) =	sbr.rel @p1 .LBB2_24-.Ltmp15, $4  }
0x174: {  	[tilespmem:s14+$0x16840] =	vst v3  }
0x175: {  	[tilespmem:s14+$0x16850] =	vst v2  }
0x176: {  	s24 =	sadd.s32 $0x300, s8;
	[tilespmem:s14+$0x16860] =	vst v1  }
0x177: {  	[hbm4b:s24+s5] =	stream.linear.scatter [tilespmem:s9], [sflag:$0xC], $0x800, $0x38;
	[tilespmem:$0x19000] =	vst v63  }
.Ltmp16:
0x178: {  	(pc) =	sbr.rel .LBB2_25-.Ltmp16, $4  }
0x179: {  	_ = 	snop  }
0x17a: {  	_ =	swait.ge [sflag:s28], $0x800  }
0x17b: {  	[sflag:s28] =	ssyncset.done $0x0  }
0x17c: {  	[sflag:s28] =	ssyncadd.s32 $0xFFFFF800  }
.LBB2_24:
0x17d: {  	s11 =	rddreg [dreg:$0x12]  }
0x17e: {  	s11 =	sadd.s32 s23, s11  }
0x17f: {  	s11 =	sshrl.u32 s11, $0x3  }
.Ltmp17:
0x180: {  	s14 =	simm.s32 $0x12800;
	s11 =	sadd.s32 s1, s11;
	(pc) =	sbr.rel @p0 .LBB2_26-.Ltmp17, $4  }
0x181: {  	[tilespmem:s14], [sflag:$0x4] =	stream.linear.gather [hbm4b:s11+s5], $0x800, $0x38;
	[tilespmem:$0x19000] =	vst v63  }
0x182: {  	_ =	swait.ge [sflag:s28], $0x800  }
0x183: {  	[sflag:s28] =	ssyncset.done $0x0  }
0x184: {  	[sflag:s28] =	ssyncadd.s32 $0xFFFFF800  }
.LBB2_25:
0x185: {  	_ =	swait.ge [sflag:s29], $0x800  }
0x186: {  	[sflag:s29] =	ssyncset.done $0x0  }
0x187: {  	[sflag:s29] =	ssyncadd.s32 $0xFFFFF800  }
.LBB2_26:
0x188: {  	s11 =	simm.s32 $0x0  }
0x189: {  	v0 =	vld [tilespmem:s11+$0x13000]  }
0x18a: {  	v1 =	vld [tilespmem:s11+$0x13070]  }
0x18b: {  	v2 =	vld [tilespmem:s11+$0x13010]  }
0x18c: {  	v3 =	vld [tilespmem:s11+$0x13020]  }
0x18d: {  	v4 =	vld [tilespmem:s11+$0x13030]  }
0x18e: {  	v7 =	vld [tilespmem:s11+$0x13040]  }
0x18f: {  	v8 =	vld [tilespmem:s11+$0x13050]  }
0x190: {  	v9 =	vld [tilespmem:s11+$0x13060]  }
0x191: {  	v10 =	vld.idx.msk [tilespmem:v0+s5+$0x0], $0xffff  }
0x192: {  	v0 =	vld.idx.msk [tilespmem:v1+s5+$0x0], $0xffff  }
0x193: {  	v6 =	vld.idx.msk [tilespmem:v2+s5+$0x0], $0xffff  }
0x194: {  	v5 =	vld.idx.msk [tilespmem:v3+s5+$0x0], $0xffff  }
0x195: {  	v4 =	vld.idx.msk [tilespmem:v4+s5+$0x0], $0xffff  }
0x196: {  	v3 =	vld.idx.msk [tilespmem:v7+s5+$0x0], $0xffff  }
0x197: {  	v2 =	vld.idx.msk [tilespmem:v8+s5+$0x0], $0xffff  }
0x198: {  	s14 =	simm.s32 $0x80;
	v1 =	vld.idx.msk [tilespmem:v9+s5+$0x0], $0xffff;
	[tilespmem:s11+$0x17070] =	vst v0  }
0x199: {  	s24 =	simm.s32 $0x400;
	v0 =	vld [tilespmem:s14+$0x13000];
	[tilespmem:s11+$0x17000] =	vst v10  }
.LBB2_27:
0x19a: {  	p2 =	sne.s32 s24, $0x1E00;
	v7 =	vld [tilespmem:s14+$0x13070];
	[tilespmem:s11+$0x17010] =	vst v6  }
0x19b: {  	v6 =	vld [tilespmem:s14+$0x13010];
	[tilespmem:s11+$0x17020] =	vst v5  }
0x19c: {  	v5 =	vld [tilespmem:s14+$0x13020];
	[tilespmem:s11+$0x17030] =	vst v4  }
0x19d: {  	v4 =	vld [tilespmem:s14+$0x13030];
	[tilespmem:s11+$0x17040] =	vst v3  }
0x19e: {  	v3 =	vld [tilespmem:s14+$0x13040];
	[tilespmem:s11+$0x17050] =	vst v2  }
0x19f: {  	v2 =	vld [tilespmem:s14+$0x13050];
	[tilespmem:s11+$0x17060] =	vst v1;
	s11 =	smov.u32 s14  }
0x1a0: {  	v1 =	vld [tilespmem:s11+$0x13060]  }
0x1a1: {  	v8 =	vld.idx.msk [tilespmem:v0+s5+$0x0], $0xffff  }
0x1a2: {  	v0 =	vld.idx.msk [tilespmem:v7+s5+$0x0], $0xffff  }
0x1a3: {  	v6 =	vld.idx.msk [tilespmem:v6+s5+$0x0], $0xffff  }
0x1a4: {  	v5 =	vld.idx.msk [tilespmem:v5+s5+$0x0], $0xffff  }
.Ltmp18:
0x1a5: {  	v4 =	vld.idx.msk [tilespmem:v4+s5+$0x0], $0xffff;
	(pc) =	sbr.rel @p2 .LBB2_27-.Ltmp18, $4  }
0x1a6: {  	v3 =	vld.idx.msk [tilespmem:v3+s5+$0x0], $0xffff  }
0x1a7: {  	v2 =	vld.idx.msk [tilespmem:v2+s5+$0x0], $0xffff  }
0x1a8: {  	s14 =	sshra.s32 s24, $0x2;
	v1 =	vld.idx.msk [tilespmem:v1+s5+$0x0], $0xffff;
	[tilespmem:s11+$0x17070] =	vst v0  }
0x1a9: {  	s24 =	sadd.s32 $0x200, s24;
	v0 =	vld [tilespmem:s14+$0x13000];
	[tilespmem:s11+$0x17000] =	vst v8  }
0x1aa: {  	_ = 	snop  }
0x1ab: {  	v7 =	vld [tilespmem:s14+$0x13070];
	[tilespmem:s11+$0x17010] =	vst v6  }
0x1ac: {  	v6 =	vld [tilespmem:s14+$0x13010];
	[tilespmem:s11+$0x17020] =	vst v5  }
0x1ad: {  	v5 =	vld [tilespmem:s14+$0x13020];
	[tilespmem:s11+$0x17030] =	vst v4  }
0x1ae: {  	v4 =	vld [tilespmem:s14+$0x13030];
	[tilespmem:s11+$0x17040] =	vst v3  }
0x1af: {  	v3 =	vld [tilespmem:s14+$0x13040];
	[tilespmem:s11+$0x17050] =	vst v2  }
0x1b0: {  	v2 =	vld [tilespmem:s14+$0x13050];
	[tilespmem:s11+$0x17060] =	vst v1  }
0x1b1: {  	v1 =	vld [tilespmem:s14+$0x13060]  }
0x1b2: {  	v0 =	vld.idx.msk [tilespmem:v0+s5+$0x0], $0xffff  }
0x1b3: {  	v7 =	vld.idx.msk [tilespmem:v7+s5+$0x0], $0xffff  }
0x1b4: {  	v6 =	vld.idx.msk [tilespmem:v6+s5+$0x0], $0xffff  }
0x1b5: {  	v5 =	vld.idx.msk [tilespmem:v5+s5+$0x0], $0xffff  }
0x1b6: {  	v4 =	vld.idx.msk [tilespmem:v4+s5+$0x0], $0xffff  }
0x1b7: {  	v3 =	vld.idx.msk [tilespmem:v3+s5+$0x0], $0xffff  }
0x1b8: {  	v2 =	vld.idx.msk [tilespmem:v2+s5+$0x0], $0xffff  }
0x1b9: {  	v1 =	vld.idx.msk [tilespmem:v1+s5+$0x0], $0xffff;
	[tilespmem:s14+$0x17070] =	vst v7  }
0x1ba: {  	[tilespmem:s14+$0x17000] =	vst v0  }
0x1bb: {  	[tilespmem:s14+$0x17010] =	vst v6  }
0x1bc: {  	[tilespmem:s14+$0x17020] =	vst v5  }
.Ltmp19:
0x1bd: {  	[tilespmem:s14+$0x17030] =	vst v4;
	(pc) =	sbr.rel @p1 .LBB2_30-.Ltmp19, $4  }
0x1be: {  	[tilespmem:s14+$0x17040] =	vst v3  }
0x1bf: {  	[tilespmem:s14+$0x17050] =	vst v2  }
0x1c0: {  	s24 =	sadd.s32 $0x400, s8;
	[tilespmem:s14+$0x17060] =	vst v1  }
0x1c1: {  	[hbm4b:s24+s5] =	stream.linear.scatter [tilespmem:s30], [sflag:$0xD], $0x800, $0x38;
	[tilespmem:$0x19000] =	vst v63  }
.Ltmp20:
0x1c2: {  	(pc) =	sbr.rel .LBB2_31-.Ltmp20, $4  }
0x1c3: {  	_ = 	snop  }
0x1c4: {  	_ =	swait.ge [sflag:s31], $0x800  }
0x1c5: {  	[sflag:s31] =	ssyncset.done $0x0  }
0x1c6: {  	[sflag:s31] =	ssyncadd.s32 $0xFFFFF800  }
.LBB2_30:
0x1c7: {  	s11 =	rddreg [dreg:$0x13]  }
0x1c8: {  	s11 =	sadd.s32 s23, s11  }
0x1c9: {  	s11 =	sshrl.u32 s11, $0x3  }
.Ltmp21:
0x1ca: {  	s14 =	simm.s32 $0x13000;
	s11 =	sadd.s32 s1, s11;
	(pc) =	sbr.rel @p0 .LBB2_32-.Ltmp21, $4  }
0x1cb: {  	[tilespmem:s14], [sflag:$0x5] =	stream.linear.gather [hbm4b:s11+s5], $0x800, $0x38;
	[tilespmem:$0x19000] =	vst v63  }
0x1cc: {  	_ =	swait.ge [sflag:s31], $0x800  }
0x1cd: {  	[sflag:s31] =	ssyncset.done $0x0  }
0x1ce: {  	[sflag:s31] =	ssyncadd.s32 $0xFFFFF800  }
.LBB2_31:
0x1cf: {  	_ =	swait.ge [sflag:s0], $0x800  }
0x1d0: {  	[sflag:s0] =	ssyncset.done $0x0  }
0x1d1: {  	[sflag:s0] =	ssyncadd.s32 $0xFFFFF800  }
.LBB2_32:
0x1d2: {  	s11 =	simm.s32 $0x0  }
0x1d3: {  	v0 =	vld [tilespmem:s11+$0x13800]  }
0x1d4: {  	v1 =	vld [tilespmem:s11+$0x13870]  }
0x1d5: {  	v2 =	vld [tilespmem:s11+$0x13810]  }
0x1d6: {  	v3 =	vld [tilespmem:s11+$0x13820]  }
0x1d7: {  	v4 =	vld [tilespmem:s11+$0x13830]  }
0x1d8: {  	v7 =	vld [tilespmem:s11+$0x13840]  }
0x1d9: {  	v8 =	vld [tilespmem:s11+$0x13850]  }
0x1da: {  	v9 =	vld [tilespmem:s11+$0x13860]  }
0x1db: {  	v10 =	vld.idx.msk [tilespmem:v0+s5+$0x0], $0xffff  }
0x1dc: {  	v0 =	vld.idx.msk [tilespmem:v1+s5+$0x0], $0xffff  }
0x1dd: {  	v6 =	vld.idx.msk [tilespmem:v2+s5+$0x0], $0xffff  }
0x1de: {  	v5 =	vld.idx.msk [tilespmem:v3+s5+$0x0], $0xffff  }
0x1df: {  	v4 =	vld.idx.msk [tilespmem:v4+s5+$0x0], $0xffff  }
0x1e0: {  	v3 =	vld.idx.msk [tilespmem:v7+s5+$0x0], $0xffff  }
0x1e1: {  	v2 =	vld.idx.msk [tilespmem:v8+s5+$0x0], $0xffff  }
0x1e2: {  	s14 =	simm.s32 $0x80;
	v1 =	vld.idx.msk [tilespmem:v9+s5+$0x0], $0xffff;
	[tilespmem:s11+$0x17870] =	vst v0  }
0x1e3: {  	s24 =	simm.s32 $0x400;
	v0 =	vld [tilespmem:s14+$0x13800];
	[tilespmem:s11+$0x17800] =	vst v10  }
.LBB2_33:
0x1e4: {  	p2 =	sne.s32 s24, $0x1E00;
	v7 =	vld [tilespmem:s14+$0x13870];
	[tilespmem:s11+$0x17810] =	vst v6  }
0x1e5: {  	v6 =	vld [tilespmem:s14+$0x13810];
	[tilespmem:s11+$0x17820] =	vst v5  }
0x1e6: {  	v5 =	vld [tilespmem:s14+$0x13820];
	[tilespmem:s11+$0x17830] =	vst v4  }
0x1e7: {  	v4 =	vld [tilespmem:s14+$0x13830];
	[tilespmem:s11+$0x17840] =	vst v3  }
0x1e8: {  	v3 =	vld [tilespmem:s14+$0x13840];
	[tilespmem:s11+$0x17850] =	vst v2  }
0x1e9: {  	v2 =	vld [tilespmem:s14+$0x13850];
	[tilespmem:s11+$0x17860] =	vst v1;
	s11 =	smov.u32 s14  }
0x1ea: {  	v1 =	vld [tilespmem:s11+$0x13860]  }
0x1eb: {  	v8 =	vld.idx.msk [tilespmem:v0+s5+$0x0], $0xffff  }
0x1ec: {  	v0 =	vld.idx.msk [tilespmem:v7+s5+$0x0], $0xffff  }
0x1ed: {  	v6 =	vld.idx.msk [tilespmem:v6+s5+$0x0], $0xffff  }
0x1ee: {  	v5 =	vld.idx.msk [tilespmem:v5+s5+$0x0], $0xffff  }
.Ltmp22:
0x1ef: {  	v4 =	vld.idx.msk [tilespmem:v4+s5+$0x0], $0xffff;
	(pc) =	sbr.rel @p2 .LBB2_33-.Ltmp22, $4  }
0x1f0: {  	v3 =	vld.idx.msk [tilespmem:v3+s5+$0x0], $0xffff  }
0x1f1: {  	v2 =	vld.idx.msk [tilespmem:v2+s5+$0x0], $0xffff  }
0x1f2: {  	s14 =	sshra.s32 s24, $0x2;
	v1 =	vld.idx.msk [tilespmem:v1+s5+$0x0], $0xffff;
	[tilespmem:s11+$0x17870] =	vst v0  }
0x1f3: {  	s24 =	sadd.s32 $0x200, s24;
	v0 =	vld [tilespmem:s14+$0x13800];
	[tilespmem:s11+$0x17800] =	vst v8  }
0x1f4: {  	_ = 	snop  }
0x1f5: {  	v7 =	vld [tilespmem:s14+$0x13870];
	[tilespmem:s11+$0x17810] =	vst v6  }
0x1f6: {  	v6 =	vld [tilespmem:s14+$0x13810];
	[tilespmem:s11+$0x17820] =	vst v5  }
0x1f7: {  	v5 =	vld [tilespmem:s14+$0x13820];
	[tilespmem:s11+$0x17830] =	vst v4  }
0x1f8: {  	v4 =	vld [tilespmem:s14+$0x13830];
	[tilespmem:s11+$0x17840] =	vst v3  }
0x1f9: {  	v3 =	vld [tilespmem:s14+$0x13840];
	[tilespmem:s11+$0x17850] =	vst v2  }
0x1fa: {  	v2 =	vld [tilespmem:s14+$0x13850];
	[tilespmem:s11+$0x17860] =	vst v1  }
0x1fb: {  	v1 =	vld [tilespmem:s14+$0x13860]  }
0x1fc: {  	v0 =	vld.idx.msk [tilespmem:v0+s5+$0x0], $0xffff  }
0x1fd: {  	v7 =	vld.idx.msk [tilespmem:v7+s5+$0x0], $0xffff  }
0x1fe: {  	v6 =	vld.idx.msk [tilespmem:v6+s5+$0x0], $0xffff  }
0x1ff: {  	v5 =	vld.idx.msk [tilespmem:v5+s5+$0x0], $0xffff  }
0x200: {  	v4 =	vld.idx.msk [tilespmem:v4+s5+$0x0], $0xffff  }
0x201: {  	v3 =	vld.idx.msk [tilespmem:v3+s5+$0x0], $0xffff  }
0x202: {  	v2 =	vld.idx.msk [tilespmem:v2+s5+$0x0], $0xffff  }
0x203: {  	v1 =	vld.idx.msk [tilespmem:v1+s5+$0x0], $0xffff;
	[tilespmem:s14+$0x17870] =	vst v7  }
0x204: {  	[tilespmem:s14+$0x17800] =	vst v0  }
0x205: {  	[tilespmem:s14+$0x17810] =	vst v6  }
0x206: {  	[tilespmem:s14+$0x17820] =	vst v5  }
.Ltmp23:
0x207: {  	[tilespmem:s14+$0x17830] =	vst v4;
	(pc) =	sbr.rel @p1 .LBB2_36-.Ltmp23, $4  }
0x208: {  	[tilespmem:s14+$0x17840] =	vst v3  }
0x209: {  	[tilespmem:s14+$0x17850] =	vst v2  }
0x20a: {  	s24 =	sadd.s32 $0x500, s8;
	[tilespmem:s14+$0x17860] =	vst v1  }
0x20b: {  	[hbm4b:s24+s5] =	stream.linear.scatter [tilespmem:s3], [sflag:$0xE], $0x800, $0x38;
	[tilespmem:$0x19000] =	vst v63  }
.Ltmp24:
0x20c: {  	(pc) =	sbr.rel .LBB2_37-.Ltmp24, $4  }
0x20d: {  	_ = 	snop  }
0x20e: {  	_ =	swait.ge [sflag:s4], $0x800  }
0x20f: {  	[sflag:s4] =	ssyncset.done $0x0  }
0x210: {  	[sflag:s4] =	ssyncadd.s32 $0xFFFFF800  }
.LBB2_36:
0x211: {  	s11 =	rddreg [dreg:$0x14]  }
0x212: {  	s11 =	sadd.s32 s23, s11  }
0x213: {  	s11 =	sshrl.u32 s11, $0x3  }
.Ltmp25:
0x214: {  	s14 =	simm.s32 $0x13800;
	s11 =	sadd.s32 s1, s11;
	(pc) =	sbr.rel @p0 .LBB2_38-.Ltmp25, $4  }
0x215: {  	[tilespmem:s14], [sflag:$0x6] =	stream.linear.gather [hbm4b:s11+s5], $0x800, $0x38;
	[tilespmem:$0x19000] =	vst v63  }
0x216: {  	_ =	swait.ge [sflag:s4], $0x800  }
0x217: {  	[sflag:s4] =	ssyncset.done $0x0  }
0x218: {  	[sflag:s4] =	ssyncadd.s32 $0xFFFFF800  }
.LBB2_37:
0x219: {  	_ =	swait.ge [sflag:s17], $0x800  }
0x21a: {  	[sflag:s17] =	ssyncset.done $0x0  }
0x21b: {  	[sflag:s17] =	ssyncadd.s32 $0xFFFFF800  }
.LBB2_38:
0x21c: {  	s11 =	simm.s32 $0x0  }
0x21d: {  	v0 =	vld [tilespmem:s11+$0x14000]  }
0x21e: {  	v1 =	vld [tilespmem:s11+$0x14070]  }
0x21f: {  	v2 =	vld [tilespmem:s11+$0x14010]  }
0x220: {  	v3 =	vld [tilespmem:s11+$0x14020]  }
0x221: {  	v4 =	vld [tilespmem:s11+$0x14030]  }
0x222: {  	v7 =	vld [tilespmem:s11+$0x14040]  }
0x223: {  	v8 =	vld [tilespmem:s11+$0x14050]  }
0x224: {  	v9 =	vld [tilespmem:s11+$0x14060]  }
0x225: {  	v10 =	vld.idx.msk [tilespmem:v0+s5+$0x0], $0xffff  }
0x226: {  	v0 =	vld.idx.msk [tilespmem:v1+s5+$0x0], $0xffff  }
0x227: {  	v6 =	vld.idx.msk [tilespmem:v2+s5+$0x0], $0xffff  }
0x228: {  	v5 =	vld.idx.msk [tilespmem:v3+s5+$0x0], $0xffff  }
0x229: {  	v4 =	vld.idx.msk [tilespmem:v4+s5+$0x0], $0xffff  }
0x22a: {  	v3 =	vld.idx.msk [tilespmem:v7+s5+$0x0], $0xffff  }
0x22b: {  	v2 =	vld.idx.msk [tilespmem:v8+s5+$0x0], $0xffff  }
0x22c: {  	s14 =	simm.s32 $0x80;
	v1 =	vld.idx.msk [tilespmem:v9+s5+$0x0], $0xffff;
	[tilespmem:s11+$0x18070] =	vst v0  }
0x22d: {  	s24 =	simm.s32 $0x400;
	v0 =	vld [tilespmem:s14+$0x14000];
	[tilespmem:s11+$0x18000] =	vst v10  }
.LBB2_39:
0x22e: {  	p2 =	sne.s32 s24, $0x1E00;
	v7 =	vld [tilespmem:s14+$0x14070];
	[tilespmem:s11+$0x18010] =	vst v6  }
0x22f: {  	v6 =	vld [tilespmem:s14+$0x14010];
	[tilespmem:s11+$0x18020] =	vst v5  }
0x230: {  	v5 =	vld [tilespmem:s14+$0x14020];
	[tilespmem:s11+$0x18030] =	vst v4  }
0x231: {  	v4 =	vld [tilespmem:s14+$0x14030];
	[tilespmem:s11+$0x18040] =	vst v3  }
0x232: {  	v3 =	vld [tilespmem:s14+$0x14040];
	[tilespmem:s11+$0x18050] =	vst v2  }
0x233: {  	v2 =	vld [tilespmem:s14+$0x14050];
	[tilespmem:s11+$0x18060] =	vst v1;
	s11 =	smov.u32 s14  }
0x234: {  	v1 =	vld [tilespmem:s11+$0x14060]  }
0x235: {  	v8 =	vld.idx.msk [tilespmem:v0+s5+$0x0], $0xffff  }
0x236: {  	v0 =	vld.idx.msk [tilespmem:v7+s5+$0x0], $0xffff  }
0x237: {  	v6 =	vld.idx.msk [tilespmem:v6+s5+$0x0], $0xffff  }
0x238: {  	v5 =	vld.idx.msk [tilespmem:v5+s5+$0x0], $0xffff  }
.Ltmp26:
0x239: {  	v4 =	vld.idx.msk [tilespmem:v4+s5+$0x0], $0xffff;
	(pc) =	sbr.rel @p2 .LBB2_39-.Ltmp26, $4  }
0x23a: {  	v3 =	vld.idx.msk [tilespmem:v3+s5+$0x0], $0xffff  }
0x23b: {  	v2 =	vld.idx.msk [tilespmem:v2+s5+$0x0], $0xffff  }
0x23c: {  	s14 =	sshra.s32 s24, $0x2;
	v1 =	vld.idx.msk [tilespmem:v1+s5+$0x0], $0xffff;
	[tilespmem:s11+$0x18070] =	vst v0  }
0x23d: {  	s24 =	sadd.s32 $0x200, s24;
	v0 =	vld [tilespmem:s14+$0x14000];
	[tilespmem:s11+$0x18000] =	vst v8  }
0x23e: {  	_ = 	snop  }
0x23f: {  	v7 =	vld [tilespmem:s14+$0x14070];
	[tilespmem:s11+$0x18010] =	vst v6  }
0x240: {  	v6 =	vld [tilespmem:s14+$0x14010];
	[tilespmem:s11+$0x18020] =	vst v5  }
0x241: {  	v5 =	vld [tilespmem:s14+$0x14020];
	[tilespmem:s11+$0x18030] =	vst v4  }
0x242: {  	v4 =	vld [tilespmem:s14+$0x14030];
	[tilespmem:s11+$0x18040] =	vst v3  }
0x243: {  	v3 =	vld [tilespmem:s14+$0x14040];
	[tilespmem:s11+$0x18050] =	vst v2  }
0x244: {  	v2 =	vld [tilespmem:s14+$0x14050];
	[tilespmem:s11+$0x18060] =	vst v1  }
0x245: {  	v1 =	vld [tilespmem:s14+$0x14060]  }
0x246: {  	v0 =	vld.idx.msk [tilespmem:v0+s5+$0x0], $0xffff  }
0x247: {  	v7 =	vld.idx.msk [tilespmem:v7+s5+$0x0], $0xffff  }
0x248: {  	v6 =	vld.idx.msk [tilespmem:v6+s5+$0x0], $0xffff  }
0x249: {  	v5 =	vld.idx.msk [tilespmem:v5+s5+$0x0], $0xffff  }
0x24a: {  	v4 =	vld.idx.msk [tilespmem:v4+s5+$0x0], $0xffff  }
0x24b: {  	v3 =	vld.idx.msk [tilespmem:v3+s5+$0x0], $0xffff  }
0x24c: {  	v2 =	vld.idx.msk [tilespmem:v2+s5+$0x0], $0xffff  }
0x24d: {  	v1 =	vld.idx.msk [tilespmem:v1+s5+$0x0], $0xffff;
	[tilespmem:s14+$0x18070] =	vst v7  }
0x24e: {  	[tilespmem:s14+$0x18000] =	vst v0  }
0x24f: {  	[tilespmem:s14+$0x18010] =	vst v6  }
0x250: {  	[tilespmem:s14+$0x18020] =	vst v5  }
.Ltmp27:
0x251: {  	[tilespmem:s14+$0x18030] =	vst v4;
	(pc) =	sbr.rel @p1 .LBB2_42-.Ltmp27, $4  }
0x252: {  	[tilespmem:s14+$0x18040] =	vst v3  }
0x253: {  	[tilespmem:s14+$0x18050] =	vst v2  }
0x254: {  	s24 =	sadd.s32 $0x600, s8;
	[tilespmem:s14+$0x18060] =	vst v1  }
0x255: {  	[hbm4b:s24+s5] =	stream.linear.scatter [tilespmem:s18], [sflag:$0xF], $0x800, $0x38;
	[tilespmem:$0x19000] =	vst v63  }
.Ltmp28:
0x256: {  	(pc) =	sbr.rel .LBB2_43-.Ltmp28, $4  }
0x257: {  	_ = 	snop  }
0x258: {  	_ =	swait.ge [sflag:s19], $0x800  }
0x259: {  	[sflag:s19] =	ssyncset.done $0x0  }
0x25a: {  	[sflag:s19] =	ssyncadd.s32 $0xFFFFF800  }
.LBB2_42:
0x25b: {  	s11 =	rddreg [dreg:$0x15]  }
0x25c: {  	s11 =	sadd.s32 s23, s11  }
0x25d: {  	s11 =	sshrl.u32 s11, $0x3  }
.Ltmp29:
0x25e: {  	s14 =	simm.s32 $0x14000;
	s11 =	sadd.s32 s1, s11;
	(pc) =	sbr.rel @p0 .LBB2_44-.Ltmp29, $4  }
0x25f: {  	[tilespmem:s14], [sflag:$0x7] =	stream.linear.gather [hbm4b:s11+s5], $0x800, $0x38;
	[tilespmem:$0x19000] =	vst v63  }
0x260: {  	_ =	swait.ge [sflag:s19], $0x800  }
0x261: {  	[sflag:s19] =	ssyncset.done $0x0  }
0x262: {  	[sflag:s19] =	ssyncadd.s32 $0xFFFFF800  }
.LBB2_43:
0x263: {  	_ =	swait.ge [sflag:s20], $0x800  }
0x264: {  	[sflag:s20] =	ssyncset.done $0x0  }
0x265: {  	[sflag:s20] =	ssyncadd.s32 $0xFFFFF800  }
.LBB2_44:
0x266: {  	s11 =	simm.s32 $0x0  }
0x267: {  	v0 =	vld [tilespmem:s11+$0x14800]  }
0x268: {  	v1 =	vld [tilespmem:s11+$0x14870]  }
0x269: {  	v2 =	vld [tilespmem:s11+$0x14810]  }
0x26a: {  	v3 =	vld [tilespmem:s11+$0x14820]  }
0x26b: {  	v4 =	vld [tilespmem:s11+$0x14830]  }
0x26c: {  	v7 =	vld [tilespmem:s11+$0x14840]  }
0x26d: {  	v8 =	vld [tilespmem:s11+$0x14850]  }
0x26e: {  	v9 =	vld [tilespmem:s11+$0x14860]  }
0x26f: {  	v10 =	vld.idx.msk [tilespmem:v0+s5+$0x0], $0xffff  }
0x270: {  	v0 =	vld.idx.msk [tilespmem:v1+s5+$0x0], $0xffff  }
0x271: {  	v6 =	vld.idx.msk [tilespmem:v2+s5+$0x0], $0xffff  }
0x272: {  	v5 =	vld.idx.msk [tilespmem:v3+s5+$0x0], $0xffff  }
0x273: {  	v4 =	vld.idx.msk [tilespmem:v4+s5+$0x0], $0xffff  }
0x274: {  	v3 =	vld.idx.msk [tilespmem:v7+s5+$0x0], $0xffff  }
0x275: {  	v2 =	vld.idx.msk [tilespmem:v8+s5+$0x0], $0xffff  }
0x276: {  	s14 =	simm.s32 $0x80;
	v1 =	vld.idx.msk [tilespmem:v9+s5+$0x0], $0xffff;
	[tilespmem:s11+$0x18870] =	vst v0  }
0x277: {  	s24 =	simm.s32 $0x400;
	v0 =	vld [tilespmem:s14+$0x14800];
	[tilespmem:s11+$0x18800] =	vst v10  }
.LBB2_45:
0x278: {  	p0 =	sne.s32 s24, $0x1E00;
	v7 =	vld [tilespmem:s14+$0x14870];
	[tilespmem:s11+$0x18810] =	vst v6  }
0x279: {  	v6 =	vld [tilespmem:s14+$0x14810];
	[tilespmem:s11+$0x18820] =	vst v5  }
0x27a: {  	v5 =	vld [tilespmem:s14+$0x14820];
	[tilespmem:s11+$0x18830] =	vst v4  }
0x27b: {  	v4 =	vld [tilespmem:s14+$0x14830];
	[tilespmem:s11+$0x18840] =	vst v3  }
0x27c: {  	v3 =	vld [tilespmem:s14+$0x14840];
	[tilespmem:s11+$0x18850] =	vst v2  }
0x27d: {  	v2 =	vld [tilespmem:s14+$0x14850];
	[tilespmem:s11+$0x18860] =	vst v1;
	s11 =	smov.u32 s14  }
0x27e: {  	v1 =	vld [tilespmem:s11+$0x14860]  }
0x27f: {  	v8 =	vld.idx.msk [tilespmem:v0+s5+$0x0], $0xffff  }
0x280: {  	v0 =	vld.idx.msk [tilespmem:v7+s5+$0x0], $0xffff  }
0x281: {  	v6 =	vld.idx.msk [tilespmem:v6+s5+$0x0], $0xffff  }
0x282: {  	v5 =	vld.idx.msk [tilespmem:v5+s5+$0x0], $0xffff  }
.Ltmp30:
0x283: {  	v4 =	vld.idx.msk [tilespmem:v4+s5+$0x0], $0xffff;
	(pc) =	sbr.rel @p0 .LBB2_45-.Ltmp30, $4  }
0x284: {  	v3 =	vld.idx.msk [tilespmem:v3+s5+$0x0], $0xffff  }
0x285: {  	v2 =	vld.idx.msk [tilespmem:v2+s5+$0x0], $0xffff  }
0x286: {  	s14 =	sshra.s32 s24, $0x2;
	v1 =	vld.idx.msk [tilespmem:v1+s5+$0x0], $0xffff;
	[tilespmem:s11+$0x18870] =	vst v0  }
0x287: {  	s24 =	sadd.s32 $0x200, s24;
	v0 =	vld [tilespmem:s14+$0x14800];
	[tilespmem:s11+$0x18800] =	vst v8  }
0x288: {  	_ = 	snop  }
0x289: {  	v7 =	vld [tilespmem:s14+$0x14870];
	[tilespmem:s11+$0x18810] =	vst v6  }
0x28a: {  	v6 =	vld [tilespmem:s14+$0x14810];
	[tilespmem:s11+$0x18820] =	vst v5  }
0x28b: {  	v5 =	vld [tilespmem:s14+$0x14820];
	[tilespmem:s11+$0x18830] =	vst v4  }
0x28c: {  	v4 =	vld [tilespmem:s14+$0x14830];
	[tilespmem:s11+$0x18840] =	vst v3  }
0x28d: {  	v3 =	vld [tilespmem:s14+$0x14840];
	[tilespmem:s11+$0x18850] =	vst v2  }
0x28e: {  	v2 =	vld [tilespmem:s14+$0x14850];
	[tilespmem:s11+$0x18860] =	vst v1  }
0x28f: {  	v1 =	vld [tilespmem:s14+$0x14860]  }
0x290: {  	v0 =	vld.idx.msk [tilespmem:v0+s5+$0x0], $0xffff  }
0x291: {  	v7 =	vld.idx.msk [tilespmem:v7+s5+$0x0], $0xffff  }
0x292: {  	v6 =	vld.idx.msk [tilespmem:v6+s5+$0x0], $0xffff  }
0x293: {  	v5 =	vld.idx.msk [tilespmem:v5+s5+$0x0], $0xffff  }
0x294: {  	v4 =	vld.idx.msk [tilespmem:v4+s5+$0x0], $0xffff  }
0x295: {  	v3 =	vld.idx.msk [tilespmem:v3+s5+$0x0], $0xffff  }
0x296: {  	v2 =	vld.idx.msk [tilespmem:v2+s5+$0x0], $0xffff  }
0x297: {  	v1 =	vld.idx.msk [tilespmem:v1+s5+$0x0], $0xffff;
	[tilespmem:s14+$0x18870] =	vst v7  }
0x298: {  	[tilespmem:s14+$0x18800] =	vst v0  }
0x299: {  	[tilespmem:s14+$0x18810] =	vst v6  }
0x29a: {  	p0 =	seq.s32 s22, $0xF;
	[tilespmem:s14+$0x18820] =	vst v5  }
.Ltmp31:
0x29b: {  	[tilespmem:s14+$0x18830] =	vst v4;
	(pc) =	sbr.rel @p0 .LBB2_48-.Ltmp31, $4  }
0x29c: {  	[tilespmem:s14+$0x18840] =	vst v3  }
0x29d: {  	[tilespmem:s14+$0x18850] =	vst v2  }
0x29e: {  	s8 =	sadd.s32 $0x700, s8;
	[tilespmem:s14+$0x18860] =	vst v1  }
0x29f: {  	[hbm4b:s8+s5] =	stream.linear.scatter [tilespmem:s21], [sflag:$0x10], $0x800, $0x38;
	[tilespmem:$0x19000] =	vst v63  }
.Ltmp32:
0x2a0: {  	(pc) =	sbr.rel .LBB2_2-.Ltmp32, $4  }
0x2a1: {  	s8 =	sadd.s32 s23, s26  }
0x2a2: {  	s8 =	sshrl.u32 s8, $0x3  }
0x2a3: {  	s11 =	simm.s32 $0x14800;
	s22 =	sadd.s32 $0x1, s22;
	s8 =	sadd.s32 s1, s8  }
0x2a4: {  	[tilespmem:s11], [sflag:$0x8] =	stream.linear.gather [hbm4b:s8+s5], $0x800, $0x38;
	[tilespmem:$0x19000] =	vst v63  }
.LBB2_49:
0x2a5: {  	_ =	sfence.sel $0x180000  }
0x2a6: {  	[bflag:$0x0] =	sbarrier.arrive $0xFFFF  }
0x2a7: {  	_ =	strace $0x90000047  }
0x2a8: {  	s0 =	stileid.u32;
	[bflag:$0x2] =	sbarrier.arrive $0xFFFF  }
0x2a9: {  	p0 =	sne.s32 s0, $0x0;
	s0 =	rddreg [dreg:$0x4]  }
0x2aa: {  	s0 =	sadd.s32 @!p0 $0x100000, s0  }
0x2ab: {  	[sflag:s0] =	ssyncadd.tile.s32 @!p0 $0x1;
	_ =	shalt  }
.Lfunc_end2:
_tile_overlayer_lowered:
.L_overlay_start_2:
0x2ac: {  	(tag) =	ssettag $0x2  }
0x2ad: {  	s0 =	rddreg [dreg:$0x0];
	s2 =	stileid.u32  }
0x2ae: {  	s1 =	rddreg [dreg:$0x1];
	p0 =	sne.s32 s2, $0x0  }
0x2af: {  	s3 =	rddreg [dreg:$0x2];
	[bflag:$0x3] =	sbarrier.arrive $0xFFFF;
	s2 =	simm.s32 @!p0 $0x1C11  }
0x2b0: {  	[timem:s3], [sflag:s2] =	dma.local @!p0 [hbm:s0], s1  }
0x2b1: {  	s0 =	simm.s32 @!p0 $0x11  }
0x2b2: {  	_ =	swait.ge @!p0 [sflag:s0], s1  }
0x2b3: {  	s1 =	ssub.s32 @!p0 $0x0, s1;
	[sflag:s0] =	ssyncset.done @!p0 $0x0  }
0x2b4: {  	[sflag:s0] =	ssyncadd.s32 @!p0 s1  }
0x2b5: {  	[bflag:$0x3] =	sbarrier.arrive $0xFFFF  }
0x2b6: {  	_ =	shalt  }

</sc_bundles>
